<compile_context>
chip_gen: v7x
topology: tpu7x:2x2x1
jax: 0.10.2.dev20260603
libtpu: 0.0.44.dev20260713+nightly
codegen_flags: <defaults>
</compile_context>

<pallas_src>
import functools

import jax
import jax.numpy as jnp
from jax import lax
from jax.experimental import pallas as pl
from jax.experimental.pallas import tpu as pltpu
from jax.experimental.pallas import tpu_sc as plsc

_B, _T = 1024, 200
_D = 64
_N = _B * _T
_C = 128
_NCOLS = _D // 16

_info = plsc.get_sparse_core_info()
_NC, _NS = _info.num_cores, _info.num_subcores
_NW = _NC * _NS
_BPW = _N // _NW
_NCHUNK = _BPW // _C
_NBUF = 5
_NGRP = _NCHUNK // _NBUF


def _pe_table():
    pos = jnp.arange(_T, dtype=jnp.float32)[:, None]
    div = jnp.power(10000.0, jnp.arange(0, _D, 2, dtype=jnp.float32) / _D)
    angle = pos / div
    pe = jnp.zeros((_T, _D), dtype=jnp.float32)
    pe = pe.at[:, 0::2].set(jnp.sin(angle))
    pe = pe.at[:, 1::2].set(jnp.cos(angle))
    return pe


def _body(table, idx, pe, out, idx_v, pe_v, rows_v, gsem, osem):
    cid = lax.axis_index("c")
    sid = lax.axis_index("s")
    wid = sid * _NC + cid

    pltpu.sync_copy(idx.at[wid], idx_v)
    pltpu.sync_copy(pe, pe_v)

    def fire_group(g, ring):
        for b in range(_NBUF):
            pltpu.async_copy(
                table.at[idx_v.at[g * _NBUF + b]],
                rows_v.at[ring * _NBUF + b],
                gsem,
            )

    fire_group(0, 0)

    def group_body(g, carry):
        ring = lax.rem(g, 2)

        @pl.when(g >= 1)
        def _():
            for _b in range(_NBUF):
                pltpu.make_async_copy(
                    rows_v.at[0], out.at[pl.ds(0, _C)], osem
                ).wait()

        @pl.when(g <= _NGRP - 2)
        def _():
            fire_group(g + 1, lax.rem(g + 1, 2))

        for _b in range(_NBUF):
            pltpu.make_async_copy(
                table.at[idx_v.at[0]], rows_v.at[0], gsem
            ).wait()

        for b in range(_NBUF):
            buf = ring * _NBUF + b
            c = g * _NBUF + b

            def row_body(i, carry2):
                t = lax.rem(c * _C + i, _T)
                for col in range(_NCOLS):
                    plsc.addupdate(
                        rows_v.at[buf, i, pl.ds(col * 16, 16)],
                        pe_v[t, pl.ds(col * 16, 16)],
                    )
                return carry2

            lax.fori_loop(0, _C, row_body, 0)
            pltpu.async_copy(
                rows_v.at[buf],
                out.at[pl.ds(wid * _BPW + c * _C, _C)],
                osem,
            )
        return carry

    lax.fori_loop(0, _NGRP, group_body, 0)

    for _b in range(_NBUF):
        pltpu.make_async_copy(rows_v.at[0], out.at[pl.ds(0, _C)], osem).wait()


@functools.partial(jax.jit, static_argnames=())
def _run(x_flat2d, emb_weight, pe):
    mesh = plsc.VectorSubcoreMesh(core_axis_name="c", subcore_axis_name="s")
    k = pl.kernel(
        _body,
        mesh=mesh,
        out_type=jax.ShapeDtypeStruct((_N, _D), jnp.float32),
        scratch_types=[
            pltpu.VMEM((_NCHUNK, _C), jnp.int32),
            pltpu.VMEM((_T, _D), jnp.float32),
            pltpu.VMEM((2 * _NBUF, _C, _D), jnp.float32),
            pltpu.SemaphoreType.DMA,
            pltpu.SemaphoreType.DMA,
        ],
        compiler_params=pltpu.CompilerParams(use_tc_tiling_on_sc=False),
    )
    return k(emb_weight, x_flat2d, pe)


def kernel(x, emb_weight):
    x_flat2d = x.reshape(_NW, _NCHUNK, _C).astype(jnp.int32)
    out = _run(x_flat2d, emb_weight, _pe_table())
    return out.reshape(_B, _T, _D)

# --- scband reference (transcript-rebuilt; emitter-appended) ---
"""Pipeline reference for scband-position-embedding-11974368821473 (READ-ONLY COPY).

The authoritative reference and input builder live on the scoring server;
editing this copy changes nothing except your own understanding.
"""

import jax, jax.numpy as jnp
import numpy as np

VOCAB = 1000000
EMB = 64

def positional_encoding(T, d_model):
    pos = jnp.arange(T, dtype=jnp.float32)[:, None]
    div = jnp.power(10000.0, jnp.arange(0, d_model, 2, dtype=jnp.float32) / d_model)
    angle = pos / div
    pe = jnp.zeros((T, d_model), dtype=jnp.float32)
    pe = pe.at[:, 0::2].set(jnp.sin(angle))
    pe = pe.at[:, 1::2].set(jnp.cos(angle))
    return pe

def setup_inputs(seed: int = 0) -> dict:
    key = jax.random.key(seed)
    k1, k2 = jax.random.split(key)
    x = jax.random.randint(k1, (1024, 200), 0, VOCAB, dtype=jnp.int64 if jax.config.jax_enable_x64 else jnp.int32)
    emb_weight = jax.random.uniform(k2, (VOCAB, EMB), dtype=jnp.float32)
    return {"x": x, "emb_weight": emb_weight}

def reference(x, emb_weight):
    emb = jnp.take(emb_weight, x, axis=0)
    b, t, d = emb.shape
    pe = positional_encoding(t, d)
    return emb + pe

if __name__ == "__main__":
    import jax
    _d = setup_inputs()
    print(jax.jit(kernel)(*tuple(_d.values())))

</pallas_src>

<mosaic_0001>
#map = affine_map<(d0, d1) -> (0, 0)>
#map1 = affine_map<(d0, d1) -> (0, 0, 0)>
module attributes {stable_mosaic.version = 14 : i64} {
  func.func @_body(%arg0: i32, %arg1: i32, %arg2: memref<1000000x64xf32, #tpu.memory_space<hbm>>, %arg3: memref<32x50x128xi32, #tpu.memory_space<hbm>>, %arg4: memref<200x64xf32, #tpu.memory_space<hbm>>, %arg5: memref<204800x64xf32, #tpu.memory_space<hbm>>, %arg6: memref<50x128xi32, #tpu.memory_space<vmem>>, %arg7: memref<200x64xf32, #tpu.memory_space<vmem>>, %arg8: memref<10x128x64xf32, #tpu.memory_space<vmem>>, %arg9: memref<!tpu.dma_semaphore, #tpu.memory_space<semaphore_mem>>, %arg10: memref<!tpu.dma_semaphore, #tpu.memory_space<semaphore_mem>>) attributes {dimension_semantics = [#tpu.dimension_semantics<core_parallel>, #tpu.dimension_semantics<subcore_parallel>], iteration_bounds = array<i64: 2, 16>, scalar_prefetch = 0 : i64, scratch_operands = 5 : i64, tpu.core_type = #tpu.core_type<sc_vector_subcore>, window_params = [{transform_indices = #map}, {transform_indices = #map1}, {transform_indices = #map}, {transform_indices = #map}]} {
    %mul3A = arith.constant 2 : i32
    %mul3A_0 = arith.muli %arg1, %mul3A : i32
    %add3A = arith.addi %mul3A_0, %arg0 : i32
    "tpu.region"() ({
      %run_scoped3A = tpu.sem_alloc : memref<!tpu.dma_semaphore, #tpu.memory_space<semaphore_mem>>
      %dma_start3A_139 = arith.constant 0 : i32
      %dma_start3A_140 = arith.constant 0 : i32
      %dma_start3A_141 = tpu.memref_slice %arg3[%add3A, %dma_start3A_139, %dma_start3A_140] : memref<32x50x128xi32, #tpu.memory_space<hbm>> -> memref<1x50x128xi32, #tpu.memory_space<hbm>>
      %dma_start3A_142 = tpu.memref_squeeze %dma_start3A_141 : memref<1x50x128xi32, #tpu.memory_space<hbm>> -> memref<50x128xi32, #tpu.memory_space<hbm>>
      %dma_start3A_143 = arith.constant 0 : i32
      %dma_start3A_144 = arith.constant 0 : i32
      %dma_start3A_145 = tpu.memref_slice %arg3[%add3A, %dma_start3A_143, %dma_start3A_144] : memref<32x50x128xi32, #tpu.memory_space<hbm>> -> memref<1x50x128xi32, #tpu.memory_space<hbm>>
      %dma_start3A_146 = tpu.memref_squeeze %dma_start3A_145 : memref<1x50x128xi32, #tpu.memory_space<hbm>> -> memref<50x128xi32, #tpu.memory_space<hbm>>
      tpu.enqueue_dma source(%dma_start3A_146 : memref<50x128xi32, #tpu.memory_space<hbm>>) target(%arg6 : memref<50x128xi32, #tpu.memory_space<vmem>>) target_semaphore(%run_scoped3A : memref<!tpu.dma_semaphore, #tpu.memory_space<semaphore_mem>>)
      %dma_wait3A_147 = arith.constant 0 : i32
      %dma_wait3A_148 = arith.constant 0 : i32
      %dma_wait3A_149 = tpu.memref_slice %arg3[%add3A, %dma_wait3A_147, %dma_wait3A_148] : memref<32x50x128xi32, #tpu.memory_space<hbm>> -> memref<1x50x128xi32, #tpu.memory_space<hbm>>
      %dma_wait3A_150 = tpu.memref_squeeze %dma_wait3A_149 : memref<1x50x128xi32, #tpu.memory_space<hbm>> -> memref<50x128xi32, #tpu.memory_space<hbm>>
      %dma_wait3A_151 = arith.constant 0 : i32
      %dma_wait3A_152 = arith.constant 0 : i32
      %dma_wait3A_153 = tpu.memref_slice %arg3[%add3A, %dma_wait3A_151, %dma_wait3A_152] : memref<32x50x128xi32, #tpu.memory_space<hbm>> -> memref<1x50x128xi32, #tpu.memory_space<hbm>>
      %dma_wait3A_154 = tpu.memref_squeeze %dma_wait3A_153 : memref<1x50x128xi32, #tpu.memory_space<hbm>> -> memref<50x128xi32, #tpu.memory_space<hbm>>
      tpu.wait_dma2 semaphore(%run_scoped3A : memref<!tpu.dma_semaphore, #tpu.memory_space<semaphore_mem>>) src(%dma_wait3A_154 : memref<50x128xi32, #tpu.memory_space<hbm>>) dst(%arg6 : memref<50x128xi32, #tpu.memory_space<vmem>>)
      tpu.yield
    }) : () -> ()
    "tpu.region"() ({
      %run_scoped3A = tpu.sem_alloc : memref<!tpu.dma_semaphore, #tpu.memory_space<semaphore_mem>>
      tpu.enqueue_dma source(%arg4 : memref<200x64xf32, #tpu.memory_space<hbm>>) target(%arg7 : memref<200x64xf32, #tpu.memory_space<vmem>>) target_semaphore(%run_scoped3A : memref<!tpu.dma_semaphore, #tpu.memory_space<semaphore_mem>>)
      tpu.wait_dma2 semaphore(%run_scoped3A : memref<!tpu.dma_semaphore, #tpu.memory_space<semaphore_mem>>) src(%arg4 : memref<200x64xf32, #tpu.memory_space<hbm>>) dst(%arg7 : memref<200x64xf32, #tpu.memory_space<vmem>>)
      tpu.yield
    }) : () -> ()
    %dma_start3A = arith.constant 0 : i32
    %dma_start3A_1 = arith.constant 0 : i32
    %dma_start3A_2 = arith.constant 0 : i32
    %dma_start3A_3 = arith.constant 0 : i32
    %dma_start3A_4 = tpu.memref_slice %arg8[%dma_start3A_1, %dma_start3A_2, %dma_start3A_3] : memref<10x128x64xf32, #tpu.memory_space<vmem>> -> memref<1x128x64xf32, #tpu.memory_space<vmem>>
    %dma_start3A_5 = tpu.memref_squeeze %dma_start3A_4 : memref<1x128x64xf32, #tpu.memory_space<vmem>> -> memref<128x64xf32, #tpu.memory_space<vmem>>
    %dma_start3A_6 = arith.constant 0 : i32
    %dma_start3A_7 = tpu.memref_slice %arg6[%dma_start3A, %dma_start3A_6] : memref<50x128xi32, #tpu.memory_space<vmem>> -> memref<1x128xi32, #tpu.memory_space<vmem>>
    %dma_start3A_8 = tpu.memref_squeeze %dma_start3A_7 : memref<1x128xi32, #tpu.memory_space<vmem>> -> memref<128xi32, #tpu.memory_space<vmem>>
    %dma_start3A_9 = arith.constant 0 : i32
    %dma_start3A_10 = arith.constant 0 : i32
    %dma_start3A_11 = tpu.memref_slice %arg2[%dma_start3A_9, %dma_start3A_10] : memref<1000000x64xf32, #tpu.memory_space<hbm>> -> memref<1000000x64xf32, #tpu.memory_space<hbm>>
    tpu.enqueue_indirect_dma source(%dma_start3A_11 : memref<1000000x64xf32, #tpu.memory_space<hbm>>) target(%dma_start3A_5 : memref<128x64xf32, #tpu.memory_space<vmem>>) offsets(%dma_start3A_8 : memref<128xi32, #tpu.memory_space<vmem>>) semaphore(%arg9 : memref<!tpu.dma_semaphore, #tpu.memory_space<semaphore_mem>>)
    %dma_start3A_12 = arith.constant 1 : i32
    %dma_start3A_13 = arith.constant 1 : i32
    %dma_start3A_14 = arith.constant 0 : i32
    %dma_start3A_15 = arith.constant 0 : i32
    %dma_start3A_16 = tpu.memref_slice %arg8[%dma_start3A_13, %dma_start3A_14, %dma_start3A_15] : memref<10x128x64xf32, #tpu.memory_space<vmem>> -> memref<1x128x64xf32, #tpu.memory_space<vmem>>
    %dma_start3A_17 = tpu.memref_squeeze %dma_start3A_16 : memref<1x128x64xf32, #tpu.memory_space<vmem>> -> memref<128x64xf32, #tpu.memory_space<vmem>>
    %dma_start3A_18 = arith.constant 0 : i32
    %dma_start3A_19 = tpu.memref_slice %arg6[%dma_start3A_12, %dma_start3A_18] : memref<50x128xi32, #tpu.memory_space<vmem>> -> memref<1x128xi32, #tpu.memory_space<vmem>>
    %dma_start3A_20 = tpu.memref_squeeze %dma_start3A_19 : memref<1x128xi32, #tpu.memory_space<vmem>> -> memref<128xi32, #tpu.memory_space<vmem>>
    %dma_start3A_21 = arith.constant 0 : i32
    %dma_start3A_22 = arith.constant 0 : i32
    %dma_start3A_23 = tpu.memref_slice %arg2[%dma_start3A_21, %dma_start3A_22] : memref<1000000x64xf32, #tpu.memory_space<hbm>> -> memref<1000000x64xf32, #tpu.memory_space<hbm>>
    tpu.enqueue_indirect_dma source(%dma_start3A_23 : memref<1000000x64xf32, #tpu.memory_space<hbm>>) target(%dma_start3A_17 : memref<128x64xf32, #tpu.memory_space<vmem>>) offsets(%dma_start3A_20 : memref<128xi32, #tpu.memory_space<vmem>>) semaphore(%arg9 : memref<!tpu.dma_semaphore, #tpu.memory_space<semaphore_mem>>)
    %dma_start3A_24 = arith.constant 2 : i32
    %dma_start3A_25 = arith.constant 2 : i32
    %dma_start3A_26 = arith.constant 0 : i32
    %dma_start3A_27 = arith.constant 0 : i32
    %dma_start3A_28 = tpu.memref_slice %arg8[%dma_start3A_25, %dma_start3A_26, %dma_start3A_27] : memref<10x128x64xf32, #tpu.memory_space<vmem>> -> memref<1x128x64xf32, #tpu.memory_space<vmem>>
    %dma_start3A_29 = tpu.memref_squeeze %dma_start3A_28 : memref<1x128x64xf32, #tpu.memory_space<vmem>> -> memref<128x64xf32, #tpu.memory_space<vmem>>
    %dma_start3A_30 = arith.constant 0 : i32
    %dma_start3A_31 = tpu.memref_slice %arg6[%dma_start3A_24, %dma_start3A_30] : memref<50x128xi32, #tpu.memory_space<vmem>> -> memref<1x128xi32, #tpu.memory_space<vmem>>
    %dma_start3A_32 = tpu.memref_squeeze %dma_start3A_31 : memref<1x128xi32, #tpu.memory_space<vmem>> -> memref<128xi32, #tpu.memory_space<vmem>>
    %dma_start3A_33 = arith.constant 0 : i32
    %dma_start3A_34 = arith.constant 0 : i32
    %dma_start3A_35 = tpu.memref_slice %arg2[%dma_start3A_33, %dma_start3A_34] : memref<1000000x64xf32, #tpu.memory_space<hbm>> -> memref<1000000x64xf32, #tpu.memory_space<hbm>>
    tpu.enqueue_indirect_dma source(%dma_start3A_35 : memref<1000000x64xf32, #tpu.memory_space<hbm>>) target(%dma_start3A_29 : memref<128x64xf32, #tpu.memory_space<vmem>>) offsets(%dma_start3A_32 : memref<128xi32, #tpu.memory_space<vmem>>) semaphore(%arg9 : memref<!tpu.dma_semaphore, #tpu.memory_space<semaphore_mem>>)
    %dma_start3A_36 = arith.constant 3 : i32
    %dma_start3A_37 = arith.constant 3 : i32
    %dma_start3A_38 = arith.constant 0 : i32
    %dma_start3A_39 = arith.constant 0 : i32
    %dma_start3A_40 = tpu.memref_slice %arg8[%dma_start3A_37, %dma_start3A_38, %dma_start3A_39] : memref<10x128x64xf32, #tpu.memory_space<vmem>> -> memref<1x128x64xf32, #tpu.memory_space<vmem>>
    %dma_start3A_41 = tpu.memref_squeeze %dma_start3A_40 : memref<1x128x64xf32, #tpu.memory_space<vmem>> -> memref<128x64xf32, #tpu.memory_space<vmem>>
    %dma_start3A_42 = arith.constant 0 : i32
    %dma_start3A_43 = tpu.memref_slice %arg6[%dma_start3A_36, %dma_start3A_42] : memref<50x128xi32, #tpu.memory_space<vmem>> -> memref<1x128xi32, #tpu.memory_space<vmem>>
    %dma_start3A_44 = tpu.memref_squeeze %dma_start3A_43 : memref<1x128xi32, #tpu.memory_space<vmem>> -> memref<128xi32, #tpu.memory_space<vmem>>
    %dma_start3A_45 = arith.constant 0 : i32
    %dma_start3A_46 = arith.constant 0 : i32
    %dma_start3A_47 = tpu.memref_slice %arg2[%dma_start3A_45, %dma_start3A_46] : memref<1000000x64xf32, #tpu.memory_space<hbm>> -> memref<1000000x64xf32, #tpu.memory_space<hbm>>
    tpu.enqueue_indirect_dma source(%dma_start3A_47 : memref<1000000x64xf32, #tpu.memory_space<hbm>>) target(%dma_start3A_41 : memref<128x64xf32, #tpu.memory_space<vmem>>) offsets(%dma_start3A_44 : memref<128xi32, #tpu.memory_space<vmem>>) semaphore(%arg9 : memref<!tpu.dma_semaphore, #tpu.memory_space<semaphore_mem>>)
    %dma_start3A_48 = arith.constant 4 : i32
    %dma_start3A_49 = arith.constant 4 : i32
    %dma_start3A_50 = arith.constant 0 : i32
    %dma_start3A_51 = arith.constant 0 : i32
    %dma_start3A_52 = tpu.memref_slice %arg8[%dma_start3A_49, %dma_start3A_50, %dma_start3A_51] : memref<10x128x64xf32, #tpu.memory_space<vmem>> -> memref<1x128x64xf32, #tpu.memory_space<vmem>>
    %dma_start3A_53 = tpu.memref_squeeze %dma_start3A_52 : memref<1x128x64xf32, #tpu.memory_space<vmem>> -> memref<128x64xf32, #tpu.memory_space<vmem>>
    %dma_start3A_54 = arith.constant 0 : i32
    %dma_start3A_55 = tpu.memref_slice %arg6[%dma_start3A_48, %dma_start3A_54] : memref<50x128xi32, #tpu.memory_space<vmem>> -> memref<1x128xi32, #tpu.memory_space<vmem>>
    %dma_start3A_56 = tpu.memref_squeeze %dma_start3A_55 : memref<1x128xi32, #tpu.memory_space<vmem>> -> memref<128xi32, #tpu.memory_space<vmem>>
    %dma_start3A_57 = arith.constant 0 : i32
    %dma_start3A_58 = arith.constant 0 : i32
    %dma_start3A_59 = tpu.memref_slice %arg2[%dma_start3A_57, %dma_start3A_58] : memref<1000000x64xf32, #tpu.memory_space<hbm>> -> memref<1000000x64xf32, #tpu.memory_space<hbm>>
    tpu.enqueue_indirect_dma source(%dma_start3A_59 : memref<1000000x64xf32, #tpu.memory_space<hbm>>) target(%dma_start3A_53 : memref<128x64xf32, #tpu.memory_space<vmem>>) offsets(%dma_start3A_56 : memref<128xi32, #tpu.memory_space<vmem>>) semaphore(%arg9 : memref<!tpu.dma_semaphore, #tpu.memory_space<semaphore_mem>>)
    %scan3A = arith.constant 0 : i32
    %scan3A_60 = arith.constant 0 : i32
    %scan3A_61 = arith.constant 10 : i32
    %scan3A_62 = arith.addi %scan3A_60, %scan3A_61 : i32
    %scan3A_63 = arith.constant 1 : i32
    scf.for %scan3A_139 = %scan3A_60 to %scan3A_62 step %scan3A_63  : i32 {
      %rem3A = arith.constant 2 : i32
      %rem3A_140 = arith.remsi %scan3A_139, %rem3A : i32
      %ge3A = arith.constant 1 : i32
      %ge3A_141 = arith.cmpi sge, %scan3A_139, %ge3A : i32
      %convert_element_type3A = arith.extui %ge3A_141 : i1 to i32
      %cond3A = arith.constant 0 : i32
      %cond3A_142 = arith.cmpi ne, %convert_element_type3A, %cond3A : i32
      scf.if %cond3A_142 {
        %dma_wait3A_362 = arith.constant 0 : i32
        %dma_wait3A_363 = arith.constant 0 : i32
        %dma_wait3A_364 = arith.constant 0 : i32
        %dma_wait3A_365 = tpu.memref_slice %arg8[%dma_wait3A_362, %dma_wait3A_363, %dma_wait3A_364] : memref<10x128x64xf32, #tpu.memory_space<vmem>> -> memref<1x128x64xf32, #tpu.memory_space<vmem>>
        %dma_wait3A_366 = tpu.memref_squeeze %dma_wait3A_365 : memref<1x128x64xf32, #tpu.memory_space<vmem>> -> memref<128x64xf32, #tpu.memory_space<vmem>>
        %dma_wait3A_367 = arith.constant 0 : i32
        %dma_wait3A_368 = arith.constant 0 : i32
        %dma_wait3A_369 = tpu.memref_slice %arg5[%dma_wait3A_367, %dma_wait3A_368] : memref<204800x64xf32, #tpu.memory_space<hbm>> -> memref<128x64xf32, #tpu.memory_space<hbm>>
        %dma_wait3A_370 = arith.constant 0 : i32
        %dma_wait3A_371 = arith.constant 0 : i32
        %dma_wait3A_372 = tpu.memref_slice %arg5[%dma_wait3A_370, %dma_wait3A_371] : memref<204800x64xf32, #tpu.memory_space<hbm>> -> memref<128x64xf32, #tpu.memory_space<hbm>>
        %dma_wait3A_373 = arith.constant 0 : i32
        %dma_wait3A_374 = arith.constant 0 : i32
        %dma_wait3A_375 = tpu.memref_slice %arg8[%dma_wait3A_362, %dma_wait3A_373, %dma_wait3A_374] : memref<10x128x64xf32, #tpu.memory_space<vmem>> -> memref<1x128x64xf32, #tpu.memory_space<vmem>>
        %dma_wait3A_376 = tpu.memref_squeeze %dma_wait3A_375 : memref<1x128x64xf32, #tpu.memory_space<vmem>> -> memref<128x64xf32, #tpu.memory_space<vmem>>
        tpu.wait_dma2 semaphore(%arg10 : memref<!tpu.dma_semaphore, #tpu.memory_space<semaphore_mem>>) src(%dma_wait3A_376 : memref<128x64xf32, #tpu.memory_space<vmem>>) dst(%dma_wait3A_372 : memref<128x64xf32, #tpu.memory_space<hbm>>)
        %dma_wait3A_377 = arith.constant 0 : i32
        %dma_wait3A_378 = arith.constant 0 : i32
        %dma_wait3A_379 = arith.constant 0 : i32
        %dma_wait3A_380 = tpu.memref_slice %arg8[%dma_wait3A_377, %dma_wait3A_378, %dma_wait3A_379] : memref<10x128x64xf32, #tpu.memory_space<vmem>> -> memref<1x128x64xf32, #tpu.memory_space<vmem>>
        %dma_wait3A_381 = tpu.memref_squeeze %dma_wait3A_380 : memref<1x128x64xf32, #tpu.memory_space<vmem>> -> memref<128x64xf32, #tpu.memory_space<vmem>>
        %dma_wait3A_382 = arith.constant 0 : i32
        %dma_wait3A_383 = arith.constant 0 : i32
        %dma_wait3A_384 = tpu.memref_slice %arg5[%dma_wait3A_382, %dma_wait3A_383] : memref<204800x64xf32, #tpu.memory_space<hbm>> -> memref<128x64xf32, #tpu.memory_space<hbm>>
        %dma_wait3A_385 = arith.constant 0 : i32
        %dma_wait3A_386 = arith.constant 0 : i32
        %dma_wait3A_387 = tpu.memref_slice %arg5[%dma_wait3A_385, %dma_wait3A_386] : memref<204800x64xf32, #tpu.memory_space<hbm>> -> memref<128x64xf32, #tpu.memory_space<hbm>>
        %dma_wait3A_388 = arith.constant 0 : i32
        %dma_wait3A_389 = arith.constant 0 : i32
        %dma_wait3A_390 = tpu.memref_slice %arg8[%dma_wait3A_377, %dma_wait3A_388, %dma_wait3A_389] : memref<10x128x64xf32, #tpu.memory_space<vmem>> -> memref<1x128x64xf32, #tpu.memory_space<vmem>>
        %dma_wait3A_391 = tpu.memref_squeeze %dma_wait3A_390 : memref<1x128x64xf32, #tpu.memory_space<vmem>> -> memref<128x64xf32, #tpu.memory_space<vmem>>
        tpu.wait_dma2 semaphore(%arg10 : memref<!tpu.dma_semaphore, #tpu.memory_space<semaphore_mem>>) src(%dma_wait3A_391 : memref<128x64xf32, #tpu.memory_space<vmem>>) dst(%dma_wait3A_387 : memref<128x64xf32, #tpu.memory_space<hbm>>)
        %dma_wait3A_392 = arith.constant 0 : i32
        %dma_wait3A_393 = arith.constant 0 : i32
        %dma_wait3A_394 = arith.constant 0 : i32
        %dma_wait3A_395 = tpu.memref_slice %arg8[%dma_wait3A_392, %dma_wait3A_393, %dma_wait3A_394] : memref<10x128x64xf32, #tpu.memory_space<vmem>> -> memref<1x128x64xf32, #tpu.memory_space<vmem>>
        %dma_wait3A_396 = tpu.memref_squeeze %dma_wait3A_395 : memref<1x128x64xf32, #tpu.memory_space<vmem>> -> memref<128x64xf32, #tpu.memory_space<vmem>>
        %dma_wait3A_397 = arith.constant 0 : i32
        %dma_wait3A_398 = arith.constant 0 : i32
        %dma_wait3A_399 = tpu.memref_slice %arg5[%dma_wait3A_397, %dma_wait3A_398] : memref<204800x64xf32, #tpu.memory_space<hbm>> -> memref<128x64xf32, #tpu.memory_space<hbm>>
        %dma_wait3A_400 = arith.constant 0 : i32
        %dma_wait3A_401 = arith.constant 0 : i32
        %dma_wait3A_402 = tpu.memref_slice %arg5[%dma_wait3A_400, %dma_wait3A_401] : memref<204800x64xf32, #tpu.memory_space<hbm>> -> memref<128x64xf32, #tpu.memory_space<hbm>>
        %dma_wait3A_403 = arith.constant 0 : i32
        %dma_wait3A_404 = arith.constant 0 : i32
        %dma_wait3A_405 = tpu.memref_slice %arg8[%dma_wait3A_392, %dma_wait3A_403, %dma_wait3A_404] : memref<10x128x64xf32, #tpu.memory_space<vmem>> -> memref<1x128x64xf32, #tpu.memory_space<vmem>>
        %dma_wait3A_406 = tpu.memref_squeeze %dma_wait3A_405 : memref<1x128x64xf32, #tpu.memory_space<vmem>> -> memref<128x64xf32, #tpu.memory_space<vmem>>
        tpu.wait_dma2 semaphore(%arg10 : memref<!tpu.dma_semaphore, #tpu.memory_space<semaphore_mem>>) src(%dma_wait3A_406 : memref<128x64xf32, #tpu.memory_space<vmem>>) dst(%dma_wait3A_402 : memref<128x64xf32, #tpu.memory_space<hbm>>)
        %dma_wait3A_407 = arith.constant 0 : i32
        %dma_wait3A_408 = arith.constant 0 : i32
        %dma_wait3A_409 = arith.constant 0 : i32
        %dma_wait3A_410 = tpu.memref_slice %arg8[%dma_wait3A_407, %dma_wait3A_408, %dma_wait3A_409] : memref<10x128x64xf32, #tpu.memory_space<vmem>> -> memref<1x128x64xf32, #tpu.memory_space<vmem>>
        %dma_wait3A_411 = tpu.memref_squeeze %dma_wait3A_410 : memref<1x128x64xf32, #tpu.memory_space<vmem>> -> memref<128x64xf32, #tpu.memory_space<vmem>>
        %dma_wait3A_412 = arith.constant 0 : i32
        %dma_wait3A_413 = arith.constant 0 : i32
        %dma_wait3A_414 = tpu.memref_slice %arg5[%dma_wait3A_412, %dma_wait3A_413] : memref<204800x64xf32, #tpu.memory_space<hbm>> -> memref<128x64xf32, #tpu.memory_space<hbm>>
        %dma_wait3A_415 = arith.constant 0 : i32
        %dma_wait3A_416 = arith.constant 0 : i32
        %dma_wait3A_417 = tpu.memref_slice %arg5[%dma_wait3A_415, %dma_wait3A_416] : memref<204800x64xf32, #tpu.memory_space<hbm>> -> memref<128x64xf32, #tpu.memory_space<hbm>>
        %dma_wait3A_418 = arith.constant 0 : i32
        %dma_wait3A_419 = arith.constant 0 : i32
        %dma_wait3A_420 = tpu.memref_slice %arg8[%dma_wait3A_407, %dma_wait3A_418, %dma_wait3A_419] : memref<10x128x64xf32, #tpu.memory_space<vmem>> -> memref<1x128x64xf32, #tpu.memory_space<vmem>>
        %dma_wait3A_421 = tpu.memref_squeeze %dma_wait3A_420 : memref<1x128x64xf32, #tpu.memory_space<vmem>> -> memref<128x64xf32, #tpu.memory_space<vmem>>
        tpu.wait_dma2 semaphore(%arg10 : memref<!tpu.dma_semaphore, #tpu.memory_space<semaphore_mem>>) src(%dma_wait3A_421 : memref<128x64xf32, #tpu.memory_space<vmem>>) dst(%dma_wait3A_417 : memref<128x64xf32, #tpu.memory_space<hbm>>)
        %dma_wait3A_422 = arith.constant 0 : i32
        %dma_wait3A_423 = arith.constant 0 : i32
        %dma_wait3A_424 = arith.constant 0 : i32
        %dma_wait3A_425 = tpu.memref_slice %arg8[%dma_wait3A_422, %dma_wait3A_423, %dma_wait3A_424] : memref<10x128x64xf32, #tpu.memory_space<vmem>> -> memref<1x128x64xf32, #tpu.memory_space<vmem>>
        %dma_wait3A_426 = tpu.memref_squeeze %dma_wait3A_425 : memref<1x128x64xf32, #tpu.memory_space<vmem>> -> memref<128x64xf32, #tpu.memory_space<vmem>>
        %dma_wait3A_427 = arith.constant 0 : i32
        %dma_wait3A_428 = arith.constant 0 : i32
        %dma_wait3A_429 = tpu.memref_slice %arg5[%dma_wait3A_427, %dma_wait3A_428] : memref<204800x64xf32, #tpu.memory_space<hbm>> -> memref<128x64xf32, #tpu.memory_space<hbm>>
        %dma_wait3A_430 = arith.constant 0 : i32
        %dma_wait3A_431 = arith.constant 0 : i32
        %dma_wait3A_432 = tpu.memref_slice %arg5[%dma_wait3A_430, %dma_wait3A_431] : memref<204800x64xf32, #tpu.memory_space<hbm>> -> memref<128x64xf32, #tpu.memory_space<hbm>>
        %dma_wait3A_433 = arith.constant 0 : i32
        %dma_wait3A_434 = arith.constant 0 : i32
        %dma_wait3A_435 = tpu.memref_slice %arg8[%dma_wait3A_422, %dma_wait3A_433, %dma_wait3A_434] : memref<10x128x64xf32, #tpu.memory_space<vmem>> -> memref<1x128x64xf32, #tpu.memory_space<vmem>>
        %dma_wait3A_436 = tpu.memref_squeeze %dma_wait3A_435 : memref<1x128x64xf32, #tpu.memory_space<vmem>> -> memref<128x64xf32, #tpu.memory_space<vmem>>
        tpu.wait_dma2 semaphore(%arg10 : memref<!tpu.dma_semaphore, #tpu.memory_space<semaphore_mem>>) src(%dma_wait3A_436 : memref<128x64xf32, #tpu.memory_space<vmem>>) dst(%dma_wait3A_432 : memref<128x64xf32, #tpu.memory_space<hbm>>)
      } else {
      }
      %le3A = arith.constant 8 : i32
      %le3A_143 = arith.cmpi sle, %scan3A_139, %le3A : i32
      %convert_element_type3A_144 = arith.extui %le3A_143 : i1 to i32
      %cond3A_145 = arith.constant 0 : i32
      %cond3A_146 = arith.cmpi ne, %convert_element_type3A_144, %cond3A_145 : i32
      scf.if %cond3A_146 {
        %add3A_362 = arith.constant 1 : i32
        %add3A_363 = arith.addi %scan3A_139, %add3A_362 : i32
        %add3A_364 = arith.constant 1 : i32
        %add3A_365 = arith.addi %scan3A_139, %add3A_364 : i32
        %rem3A_366 = arith.constant 2 : i32
        %rem3A_367 = arith.remsi %add3A_365, %rem3A_366 : i32
        %mul3A_368 = arith.constant 5 : i32
        %mul3A_369 = arith.muli %add3A_363, %mul3A_368 : i32
        %add3A_370 = arith.constant 0 : i32
        %add3A_371 = arith.addi %mul3A_369, %add3A_370 : i32
        %mul3A_372 = arith.constant 5 : i32
        %mul3A_373 = arith.muli %rem3A_367, %mul3A_372 : i32
        %add3A_374 = arith.constant 0 : i32
        %add3A_375 = arith.addi %mul3A_373, %add3A_374 : i32
        %dma_start3A_376 = arith.constant 0 : i32
        %dma_start3A_377 = arith.constant 0 : i32
        %dma_start3A_378 = tpu.memref_slice %arg8[%add3A_375, %dma_start3A_376, %dma_start3A_377] : memref<10x128x64xf32, #tpu.memory_space<vmem>> -> memref<1x128x64xf32, #tpu.memory_space<vmem>>
        %dma_start3A_379 = tpu.memref_squeeze %dma_start3A_378 : memref<1x128x64xf32, #tpu.memory_space<vmem>> -> memref<128x64xf32, #tpu.memory_space<vmem>>
        %dma_start3A_380 = arith.constant 0 : i32
        %dma_start3A_381 = tpu.memref_slice %arg6[%add3A_371, %dma_start3A_380] : memref<50x128xi32, #tpu.memory_space<vmem>> -> memref<1x128xi32, #tpu.memory_space<vmem>>
        %dma_start3A_382 = tpu.memref_squeeze %dma_start3A_381 : memref<1x128xi32, #tpu.memory_space<vmem>> -> memref<128xi32, #tpu.memory_space<vmem>>
        %dma_start3A_383 = arith.constant 0 : i32
        %dma_start3A_384 = arith.constant 0 : i32
        %dma_start3A_385 = tpu.memref_slice %arg2[%dma_start3A_383, %dma_start3A_384] : memref<1000000x64xf32, #tpu.memory_space<hbm>> -> memref<1000000x64xf32, #tpu.memory_space<hbm>>
        tpu.enqueue_indirect_dma source(%dma_start3A_385 : memref<1000000x64xf32, #tpu.memory_space<hbm>>) target(%dma_start3A_379 : memref<128x64xf32, #tpu.memory_space<vmem>>) offsets(%dma_start3A_382 : memref<128xi32, #tpu.memory_space<vmem>>) semaphore(%arg9 : memref<!tpu.dma_semaphore, #tpu.memory_space<semaphore_mem>>)
        %mul3A_386 = arith.constant 5 : i32
        %mul3A_387 = arith.muli %add3A_363, %mul3A_386 : i32
        %add3A_388 = arith.constant 1 : i32
        %add3A_389 = arith.addi %mul3A_387, %add3A_388 : i32
        %mul3A_390 = arith.constant 5 : i32
        %mul3A_391 = arith.muli %rem3A_367, %mul3A_390 : i32
        %add3A_392 = arith.constant 1 : i32
        %add3A_393 = arith.addi %mul3A_391, %add3A_392 : i32
        %dma_start3A_394 = arith.constant 0 : i32
        %dma_start3A_395 = arith.constant 0 : i32
        %dma_start3A_396 = tpu.memref_slice %arg8[%add3A_393, %dma_start3A_394, %dma_start3A_395] : memref<10x128x64xf32, #tpu.memory_space<vmem>> -> memref<1x128x64xf32, #tpu.memory_space<vmem>>
        %dma_start3A_397 = tpu.memref_squeeze %dma_start3A_396 : memref<1x128x64xf32, #tpu.memory_space<vmem>> -> memref<128x64xf32, #tpu.memory_space<vmem>>
        %dma_start3A_398 = arith.constant 0 : i32
        %dma_start3A_399 = tpu.memref_slice %arg6[%add3A_389, %dma_start3A_398] : memref<50x128xi32, #tpu.memory_space<vmem>> -> memref<1x128xi32, #tpu.memory_space<vmem>>
        %dma_start3A_400 = tpu.memref_squeeze %dma_start3A_399 : memref<1x128xi32, #tpu.memory_space<vmem>> -> memref<128xi32, #tpu.memory_space<vmem>>
        %dma_start3A_401 = arith.constant 0 : i32
        %dma_start3A_402 = arith.constant 0 : i32
        %dma_start3A_403 = tpu.memref_slice %arg2[%dma_start3A_401, %dma_start3A_402] : memref<1000000x64xf32, #tpu.memory_space<hbm>> -> memref<1000000x64xf32, #tpu.memory_space<hbm>>
        tpu.enqueue_indirect_dma source(%dma_start3A_403 : memref<1000000x64xf32, #tpu.memory_space<hbm>>) target(%dma_start3A_397 : memref<128x64xf32, #tpu.memory_space<vmem>>) offsets(%dma_start3A_400 : memref<128xi32, #tpu.memory_space<vmem>>) semaphore(%arg9 : memref<!tpu.dma_semaphore, #tpu.memory_space<semaphore_mem>>)
        %mul3A_404 = arith.constant 5 : i32
        %mul3A_405 = arith.muli %add3A_363, %mul3A_404 : i32
        %add3A_406 = arith.constant 2 : i32
        %add3A_407 = arith.addi %mul3A_405, %add3A_406 : i32
        %mul3A_408 = arith.constant 5 : i32
        %mul3A_409 = arith.muli %rem3A_367, %mul3A_408 : i32
        %add3A_410 = arith.constant 2 : i32
        %add3A_411 = arith.addi %mul3A_409, %add3A_410 : i32
        %dma_start3A_412 = arith.constant 0 : i32
        %dma_start3A_413 = arith.constant 0 : i32
        %dma_start3A_414 = tpu.memref_slice %arg8[%add3A_411, %dma_start3A_412, %dma_start3A_413] : memref<10x128x64xf32, #tpu.memory_space<vmem>> -> memref<1x128x64xf32, #tpu.memory_space<vmem>>
        %dma_start3A_415 = tpu.memref_squeeze %dma_start3A_414 : memref<1x128x64xf32, #tpu.memory_space<vmem>> -> memref<128x64xf32, #tpu.memory_space<vmem>>
        %dma_start3A_416 = arith.constant 0 : i32
        %dma_start3A_417 = tpu.memref_slice %arg6[%add3A_407, %dma_start3A_416] : memref<50x128xi32, #tpu.memory_space<vmem>> -> memref<1x128xi32, #tpu.memory_space<vmem>>
        %dma_start3A_418 = tpu.memref_squeeze %dma_start3A_417 : memref<1x128xi32, #tpu.memory_space<vmem>> -> memref<128xi32, #tpu.memory_space<vmem>>
        %dma_start3A_419 = arith.constant 0 : i32
        %dma_start3A_420 = arith.constant 0 : i32
        %dma_start3A_421 = tpu.memref_slice %arg2[%dma_start3A_419, %dma_start3A_420] : memref<1000000x64xf32, #tpu.memory_space<hbm>> -> memref<1000000x64xf32, #tpu.memory_space<hbm>>
        tpu.enqueue_indirect_dma source(%dma_start3A_421 : memref<1000000x64xf32, #tpu.memory_space<hbm>>) target(%dma_start3A_415 : memref<128x64xf32, #tpu.memory_space<vmem>>) offsets(%dma_start3A_418 : memref<128xi32, #tpu.memory_space<vmem>>) semaphore(%arg9 : memref<!tpu.dma_semaphore, #tpu.memory_space<semaphore_mem>>)
        %mul3A_422 = arith.constant 5 : i32
        %mul3A_423 = arith.muli %add3A_363, %mul3A_422 : i32
        %add3A_424 = arith.constant 3 : i32
        %add3A_425 = arith.addi %mul3A_423, %add3A_424 : i32
        %mul3A_426 = arith.constant 5 : i32
        %mul3A_427 = arith.muli %rem3A_367, %mul3A_426 : i32
        %add3A_428 = arith.constant 3 : i32
        %add3A_429 = arith.addi %mul3A_427, %add3A_428 : i32
        %dma_start3A_430 = arith.constant 0 : i32
        %dma_start3A_431 = arith.constant 0 : i32
        %dma_start3A_432 = tpu.memref_slice %arg8[%add3A_429, %dma_start3A_430, %dma_start3A_431] : memref<10x128x64xf32, #tpu.memory_space<vmem>> -> memref<1x128x64xf32, #tpu.memory_space<vmem>>
        %dma_start3A_433 = tpu.memref_squeeze %dma_start3A_432 : memref<1x128x64xf32, #tpu.memory_space<vmem>> -> memref<128x64xf32, #tpu.memory_space<vmem>>
        %dma_start3A_434 = arith.constant 0 : i32
        %dma_start3A_435 = tpu.memref_slice %arg6[%add3A_425, %dma_start3A_434] : memref<50x128xi32, #tpu.memory_space<vmem>> -> memref<1x128xi32, #tpu.memory_space<vmem>>
        %dma_start3A_436 = tpu.memref_squeeze %dma_start3A_435 : memref<1x128xi32, #tpu.memory_space<vmem>> -> memref<128xi32, #tpu.memory_space<vmem>>
        %dma_start3A_437 = arith.constant 0 : i32
        %dma_start3A_438 = arith.constant 0 : i32
        %dma_start3A_439 = tpu.memref_slice %arg2[%dma_start3A_437, %dma_start3A_438] : memref<1000000x64xf32, #tpu.memory_space<hbm>> -> memref<1000000x64xf32, #tpu.memory_space<hbm>>
        tpu.enqueue_indirect_dma source(%dma_start3A_439 : memref<1000000x64xf32, #tpu.memory_space<hbm>>) target(%dma_start3A_433 : memref<128x64xf32, #tpu.memory_space<vmem>>) offsets(%dma_start3A_436 : memref<128xi32, #tpu.memory_space<vmem>>) semaphore(%arg9 : memref<!tpu.dma_semaphore, #tpu.memory_space<semaphore_mem>>)
        %mul3A_440 = arith.constant 5 : i32
        %mul3A_441 = arith.muli %add3A_363, %mul3A_440 : i32
        %add3A_442 = arith.constant 4 : i32
        %add3A_443 = arith.addi %mul3A_441, %add3A_442 : i32
        %mul3A_444 = arith.constant 5 : i32
        %mul3A_445 = arith.muli %rem3A_367, %mul3A_444 : i32
        %add3A_446 = arith.constant 4 : i32
        %add3A_447 = arith.addi %mul3A_445, %add3A_446 : i32
        %dma_start3A_448 = arith.constant 0 : i32
        %dma_start3A_449 = arith.constant 0 : i32
        %dma_start3A_450 = tpu.memref_slice %arg8[%add3A_447, %dma_start3A_448, %dma_start3A_449] : memref<10x128x64xf32, #tpu.memory_space<vmem>> -> memref<1x128x64xf32, #tpu.memory_space<vmem>>
        %dma_start3A_451 = tpu.memref_squeeze %dma_start3A_450 : memref<1x128x64xf32, #tpu.memory_space<vmem>> -> memref<128x64xf32, #tpu.memory_space<vmem>>
        %dma_start3A_452 = arith.constant 0 : i32
        %dma_start3A_453 = tpu.memref_slice %arg6[%add3A_443, %dma_start3A_452] : memref<50x128xi32, #tpu.memory_space<vmem>> -> memref<1x128xi32, #tpu.memory_space<vmem>>
        %dma_start3A_454 = tpu.memref_squeeze %dma_start3A_453 : memref<1x128xi32, #tpu.memory_space<vmem>> -> memref<128xi32, #tpu.memory_space<vmem>>
        %dma_start3A_455 = arith.constant 0 : i32
        %dma_start3A_456 = arith.constant 0 : i32
        %dma_start3A_457 = tpu.memref_slice %arg2[%dma_start3A_455, %dma_start3A_456] : memref<1000000x64xf32, #tpu.memory_space<hbm>> -> memref<1000000x64xf32, #tpu.memory_space<hbm>>
        tpu.enqueue_indirect_dma source(%dma_start3A_457 : memref<1000000x64xf32, #tpu.memory_space<hbm>>) target(%dma_start3A_451 : memref<128x64xf32, #tpu.memory_space<vmem>>) offsets(%dma_start3A_454 : memref<128xi32, #tpu.memory_space<vmem>>) semaphore(%arg9 : memref<!tpu.dma_semaphore, #tpu.memory_space<semaphore_mem>>)
      } else {
      }
      %dma_wait3A_147 = arith.constant 0 : i32
      %dma_wait3A_148 = arith.constant 0 : i32
      %dma_wait3A_149 = arith.constant 0 : i32
      %dma_wait3A_150 = arith.constant 0 : i32
      %dma_wait3A_151 = tpu.memref_slice %arg8[%dma_wait3A_148, %dma_wait3A_149, %dma_wait3A_150] : memref<10x128x64xf32, #tpu.memory_space<vmem>> -> memref<1x128x64xf32, #tpu.memory_space<vmem>>
      %dma_wait3A_152 = tpu.memref_squeeze %dma_wait3A_151 : memref<1x128x64xf32, #tpu.memory_space<vmem>> -> memref<128x64xf32, #tpu.memory_space<vmem>>
      %dma_wait3A_153 = arith.constant 0 : i32
      %dma_wait3A_154 = tpu.memref_slice %arg6[%dma_wait3A_147, %dma_wait3A_153] : memref<50x128xi32, #tpu.memory_space<vmem>> -> memref<1x128xi32, #tpu.memory_space<vmem>>
      %dma_wait3A_155 = tpu.memref_squeeze %dma_wait3A_154 : memref<1x128xi32, #tpu.memory_space<vmem>> -> memref<128xi32, #tpu.memory_space<vmem>>
      %dma_wait3A_156 = arith.constant 0 : i32
      %dma_wait3A_157 = arith.constant 0 : i32
      %dma_wait3A_158 = tpu.memref_slice %arg2[%dma_wait3A_156, %dma_wait3A_157] : memref<1000000x64xf32, #tpu.memory_space<hbm>> -> memref<1000000x64xf32, #tpu.memory_space<hbm>>
      tpu.wait_indirect_dma semaphore(%arg9 : memref<!tpu.dma_semaphore, #tpu.memory_space<semaphore_mem>>) src(%dma_wait3A_158 : memref<1000000x64xf32, #tpu.memory_space<hbm>>) dst(%dma_wait3A_152 : memref<128x64xf32, #tpu.memory_space<vmem>>)
      %dma_wait3A_159 = arith.constant 0 : i32
      %dma_wait3A_160 = arith.constant 0 : i32
      %dma_wait3A_161 = arith.constant 0 : i32
      %dma_wait3A_162 = arith.constant 0 : i32
      %dma_wait3A_163 = tpu.memref_slice %arg8[%dma_wait3A_160, %dma_wait3A_161, %dma_wait3A_162] : memref<10x128x64xf32, #tpu.memory_space<vmem>> -> memref<1x128x64xf32, #tpu.memory_space<vmem>>
      %dma_wait3A_164 = tpu.memref_squeeze %dma_wait3A_163 : memref<1x128x64xf32, #tpu.memory_space<vmem>> -> memref<128x64xf32, #tpu.memory_space<vmem>>
      %dma_wait3A_165 = arith.constant 0 : i32
      %dma_wait3A_166 = tpu.memref_slice %arg6[%dma_wait3A_159, %dma_wait3A_165] : memref<50x128xi32, #tpu.memory_space<vmem>> -> memref<1x128xi32, #tpu.memory_space<vmem>>
      %dma_wait3A_167 = tpu.memref_squeeze %dma_wait3A_166 : memref<1x128xi32, #tpu.memory_space<vmem>> -> memref<128xi32, #tpu.memory_space<vmem>>
      %dma_wait3A_168 = arith.constant 0 : i32
      %dma_wait3A_169 = arith.constant 0 : i32
      %dma_wait3A_170 = tpu.memref_slice %arg2[%dma_wait3A_168, %dma_wait3A_169] : memref<1000000x64xf32, #tpu.memory_space<hbm>> -> memref<1000000x64xf32, #tpu.memory_space<hbm>>
      tpu.wait_indirect_dma semaphore(%arg9 : memref<!tpu.dma_semaphore, #tpu.memory_space<semaphore_mem>>) src(%dma_wait3A_170 : memref<1000000x64xf32, #tpu.memory_space<hbm>>) dst(%dma_wait3A_164 : memref<128x64xf32, #tpu.memory_space<vmem>>)
      %dma_wait3A_171 = arith.constant 0 : i32
      %dma_wait3A_172 = arith.constant 0 : i32
      %dma_wait3A_173 = arith.constant 0 : i32
      %dma_wait3A_174 = arith.constant 0 : i32
      %dma_wait3A_175 = tpu.memref_slice %arg8[%dma_wait3A_172, %dma_wait3A_173, %dma_wait3A_174] : memref<10x128x64xf32, #tpu.memory_space<vmem>> -> memref<1x128x64xf32, #tpu.memory_space<vmem>>
      %dma_wait3A_176 = tpu.memref_squeeze %dma_wait3A_175 : memref<1x128x64xf32, #tpu.memory_space<vmem>> -> memref<128x64xf32, #tpu.memory_space<vmem>>
      %dma_wait3A_177 = arith.constant 0 : i32
      %dma_wait3A_178 = tpu.memref_slice %arg6[%dma_wait3A_171, %dma_wait3A_177] : memref<50x128xi32, #tpu.memory_space<vmem>> -> memref<1x128xi32, #tpu.memory_space<vmem>>
      %dma_wait3A_179 = tpu.memref_squeeze %dma_wait3A_178 : memref<1x128xi32, #tpu.memory_space<vmem>> -> memref<128xi32, #tpu.memory_space<vmem>>
      %dma_wait3A_180 = arith.constant 0 : i32
      %dma_wait3A_181 = arith.constant 0 : i32
      %dma_wait3A_182 = tpu.memref_slice %arg2[%dma_wait3A_180, %dma_wait3A_181] : memref<1000000x64xf32, #tpu.memory_space<hbm>> -> memref<1000000x64xf32, #tpu.memory_space<hbm>>
      tpu.wait_indirect_dma semaphore(%arg9 : memref<!tpu.dma_semaphore, #tpu.memory_space<semaphore_mem>>) src(%dma_wait3A_182 : memref<1000000x64xf32, #tpu.memory_space<hbm>>) dst(%dma_wait3A_176 : memref<128x64xf32, #tpu.memory_space<vmem>>)
      %dma_wait3A_183 = arith.constant 0 : i32
      %dma_wait3A_184 = arith.constant 0 : i32
      %dma_wait3A_185 = arith.constant 0 : i32
      %dma_wait3A_186 = arith.constant 0 : i32
      %dma_wait3A_187 = tpu.memref_slice %arg8[%dma_wait3A_184, %dma_wait3A_185, %dma_wait3A_186] : memref<10x128x64xf32, #tpu.memory_space<vmem>> -> memref<1x128x64xf32, #tpu.memory_space<vmem>>
      %dma_wait3A_188 = tpu.memref_squeeze %dma_wait3A_187 : memref<1x128x64xf32, #tpu.memory_space<vmem>> -> memref<128x64xf32, #tpu.memory_space<vmem>>
      %dma_wait3A_189 = arith.constant 0 : i32
      %dma_wait3A_190 = tpu.memref_slice %arg6[%dma_wait3A_183, %dma_wait3A_189] : memref<50x128xi32, #tpu.memory_space<vmem>> -> memref<1x128xi32, #tpu.memory_space<vmem>>
      %dma_wait3A_191 = tpu.memref_squeeze %dma_wait3A_190 : memref<1x128xi32, #tpu.memory_space<vmem>> -> memref<128xi32, #tpu.memory_space<vmem>>
      %dma_wait3A_192 = arith.constant 0 : i32
      %dma_wait3A_193 = arith.constant 0 : i32
      %dma_wait3A_194 = tpu.memref_slice %arg2[%dma_wait3A_192, %dma_wait3A_193] : memref<1000000x64xf32, #tpu.memory_space<hbm>> -> memref<1000000x64xf32, #tpu.memory_space<hbm>>
      tpu.wait_indirect_dma semaphore(%arg9 : memref<!tpu.dma_semaphore, #tpu.memory_space<semaphore_mem>>) src(%dma_wait3A_194 : memref<1000000x64xf32, #tpu.memory_space<hbm>>) dst(%dma_wait3A_188 : memref<128x64xf32, #tpu.memory_space<vmem>>)
      %dma_wait3A_195 = arith.constant 0 : i32
      %dma_wait3A_196 = arith.constant 0 : i32
      %dma_wait3A_197 = arith.constant 0 : i32
      %dma_wait3A_198 = arith.constant 0 : i32
      %dma_wait3A_199 = tpu.memref_slice %arg8[%dma_wait3A_196, %dma_wait3A_197, %dma_wait3A_198] : memref<10x128x64xf32, #tpu.memory_space<vmem>> -> memref<1x128x64xf32, #tpu.memory_space<vmem>>
      %dma_wait3A_200 = tpu.memref_squeeze %dma_wait3A_199 : memref<1x128x64xf32, #tpu.memory_space<vmem>> -> memref<128x64xf32, #tpu.memory_space<vmem>>
      %dma_wait3A_201 = arith.constant 0 : i32
      %dma_wait3A_202 = tpu.memref_slice %arg6[%dma_wait3A_195, %dma_wait3A_201] : memref<50x128xi32, #tpu.memory_space<vmem>> -> memref<1x128xi32, #tpu.memory_space<vmem>>
      %dma_wait3A_203 = tpu.memref_squeeze %dma_wait3A_202 : memref<1x128xi32, #tpu.memory_space<vmem>> -> memref<128xi32, #tpu.memory_space<vmem>>
      %dma_wait3A_204 = arith.constant 0 : i32
      %dma_wait3A_205 = arith.constant 0 : i32
      %dma_wait3A_206 = tpu.memref_slice %arg2[%dma_wait3A_204, %dma_wait3A_205] : memref<1000000x64xf32, #tpu.memory_space<hbm>> -> memref<1000000x64xf32, #tpu.memory_space<hbm>>
      tpu.wait_indirect_dma semaphore(%arg9 : memref<!tpu.dma_semaphore, #tpu.memory_space<semaphore_mem>>) src(%dma_wait3A_206 : memref<1000000x64xf32, #tpu.memory_space<hbm>>) dst(%dma_wait3A_200 : memref<128x64xf32, #tpu.memory_space<vmem>>)
      %mul3A_207 = arith.constant 5 : i32
      %mul3A_208 = arith.muli %rem3A_140, %mul3A_207 : i32
      %add3A_209 = arith.constant 0 : i32
      %add3A_210 = arith.addi %mul3A_208, %add3A_209 : i32
      %mul3A_211 = arith.constant 5 : i32
      %mul3A_212 = arith.muli %scan3A_139, %mul3A_211 : i32
      %add3A_213 = arith.constant 0 : i32
      %add3A_214 = arith.addi %mul3A_212, %add3A_213 : i32
      %scan3A_215 = arith.constant 0 : i32
      %scan3A_216 = arith.constant 0 : i32
      %scan3A_217 = arith.constant 128 : i32
      %scan3A_218 = arith.addi %scan3A_216, %scan3A_217 : i32
      %scan3A_219 = arith.constant 1 : i32
      scf.for %scan3A_362 = %scan3A_216 to %scan3A_218 step %scan3A_219  : i32 {
        %mul3A_363 = arith.constant 128 : i32
        %mul3A_364 = arith.muli %add3A_214, %mul3A_363 : i32
        %add3A_365 = arith.addi %mul3A_364, %scan3A_362 : i32
        %rem3A_366 = arith.constant 200 : i32
        %rem3A_367 = arith.remsi %add3A_365, %rem3A_366 : i32
        %get3A = arith.index_cast %rem3A_367 : i32 to index
        %get3A_368 = arith.constant 0 : index
        %get3A_369 = tpu.vector_load %arg7[%get3A, %get3A_368] {strides = array<i32>} : memref<200x64xf32, #tpu.memory_space<vmem>>, vector<1x16xf32>,
        %get3A_370 = vector.shape_cast %get3A_369 : vector<1x16xf32> to vector<16xf32>
        %swap3A = arith.index_cast %add3A_210 : i32 to index
        %swap3A_371 = arith.index_cast %scan3A_362 : i32 to index
        %swap3A_372 = arith.constant 0 : index
        %swap3A_373 = tpu.vector_load %arg8[%swap3A, %swap3A_371, %swap3A_372] {strides = array<i32>} : memref<10x128x64xf32, #tpu.memory_space<vmem>>, vector<1x1x16xf32>,
        %swap3A_374 = vector.shape_cast %swap3A_373 : vector<1x1x16xf32> to vector<16xf32>
        %swap3A_375 = vector.shape_cast %get3A_370 : vector<16xf32> to vector<1x1x16xf32>
        tpu.vector_store %arg8[%swap3A, %swap3A_371, %swap3A_372], %swap3A_375 {add = true, strides = array<i32>} : memref<10x128x64xf32, #tpu.memory_space<vmem>>, vector<1x1x16xf32>,
        %get3A_376 = arith.index_cast %rem3A_367 : i32 to index
        %get3A_377 = arith.constant 16 : index
        %get3A_378 = tpu.vector_load %arg7[%get3A_376, %get3A_377] {strides = array<i32>} : memref<200x64xf32, #tpu.memory_space<vmem>>, vector<1x16xf32>,
        %get3A_379 = vector.shape_cast %get3A_378 : vector<1x16xf32> to vector<16xf32>
        %swap3A_380 = arith.index_cast %add3A_210 : i32 to index
        %swap3A_381 = arith.index_cast %scan3A_362 : i32 to index
        %swap3A_382 = arith.constant 16 : index
        %swap3A_383 = tpu.vector_load %arg8[%swap3A_380, %swap3A_381, %swap3A_382] {strides = array<i32>} : memref<10x128x64xf32, #tpu.memory_space<vmem>>, vector<1x1x16xf32>,
        %swap3A_384 = vector.shape_cast %swap3A_383 : vector<1x1x16xf32> to vector<16xf32>
        %swap3A_385 = vector.shape_cast %get3A_379 : vector<16xf32> to vector<1x1x16xf32>
        tpu.vector_store %arg8[%swap3A_380, %swap3A_381, %swap3A_382], %swap3A_385 {add = true, strides = array<i32>} : memref<10x128x64xf32, #tpu.memory_space<vmem>>, vector<1x1x16xf32>,
        %get3A_386 = arith.index_cast %rem3A_367 : i32 to index
        %get3A_387 = arith.constant 32 : index
        %get3A_388 = tpu.vector_load %arg7[%get3A_386, %get3A_387] {strides = array<i32>} : memref<200x64xf32, #tpu.memory_space<vmem>>, vector<1x16xf32>,
        %get3A_389 = vector.shape_cast %get3A_388 : vector<1x16xf32> to vector<16xf32>
        %swap3A_390 = arith.index_cast %add3A_210 : i32 to index
        %swap3A_391 = arith.index_cast %scan3A_362 : i32 to index
        %swap3A_392 = arith.constant 32 : index
        %swap3A_393 = tpu.vector_load %arg8[%swap3A_390, %swap3A_391, %swap3A_392] {strides = array<i32>} : memref<10x128x64xf32, #tpu.memory_space<vmem>>, vector<1x1x16xf32>,
        %swap3A_394 = vector.shape_cast %swap3A_393 : vector<1x1x16xf32> to vector<16xf32>
        %swap3A_395 = vector.shape_cast %get3A_389 : vector<16xf32> to vector<1x1x16xf32>
        tpu.vector_store %arg8[%swap3A_390, %swap3A_391, %swap3A_392], %swap3A_395 {add = true, strides = array<i32>} : memref<10x128x64xf32, #tpu.memory_space<vmem>>, vector<1x1x16xf32>,
        %get3A_396 = arith.index_cast %rem3A_367 : i32 to index
        %get3A_397 = arith.constant 48 : index
        %get3A_398 = tpu.vector_load %arg7[%get3A_396, %get3A_397] {strides = array<i32>} : memref<200x64xf32, #tpu.memory_space<vmem>>, vector<1x16xf32>,
        %get3A_399 = vector.shape_cast %get3A_398 : vector<1x16xf32> to vector<16xf32>
        %swap3A_400 = arith.index_cast %add3A_210 : i32 to index
        %swap3A_401 = arith.index_cast %scan3A_362 : i32 to index
        %swap3A_402 = arith.constant 48 : index
        %swap3A_403 = tpu.vector_load %arg8[%swap3A_400, %swap3A_401, %swap3A_402] {strides = array<i32>} : memref<10x128x64xf32, #tpu.memory_space<vmem>>, vector<1x1x16xf32>,
        %swap3A_404 = vector.shape_cast %swap3A_403 : vector<1x1x16xf32> to vector<16xf32>
        %swap3A_405 = vector.shape_cast %get3A_399 : vector<16xf32> to vector<1x1x16xf32>
        tpu.vector_store %arg8[%swap3A_400, %swap3A_401, %swap3A_402], %swap3A_405 {add = true, strides = array<i32>} : memref<10x128x64xf32, #tpu.memory_space<vmem>>, vector<1x1x16xf32>,
      }
      %scan3A_220 = arith.constant 128 : i32
      %mul3A_221 = arith.constant 6400 : i32
      %mul3A_222 = arith.muli %add3A, %mul3A_221 : i32
      %mul3A_223 = arith.constant 128 : i32
      %mul3A_224 = arith.muli %add3A_214, %mul3A_223 : i32
      %add3A_225 = arith.addi %mul3A_222, %mul3A_224 : i32
      %dma_start3A_226 = arith.constant 0 : i32
      %dma_start3A_227 = arith.constant 0 : i32
      %dma_start3A_228 = tpu.memref_slice %arg8[%add3A_210, %dma_start3A_226, %dma_start3A_227] : memref<10x128x64xf32, #tpu.memory_space<vmem>> -> memref<1x128x64xf32, #tpu.memory_space<vmem>>
      %dma_start3A_229 = tpu.memref_squeeze %dma_start3A_228 : memref<1x128x64xf32, #tpu.memory_space<vmem>> -> memref<128x64xf32, #tpu.memory_space<vmem>>
      %dma_start3A_230 = arith.constant 0 : i32
      %dma_start3A_231 = tpu.memref_slice %arg5[%add3A_225, %dma_start3A_230] : memref<204800x64xf32, #tpu.memory_space<hbm>> -> memref<128x64xf32, #tpu.memory_space<hbm>>
      %dma_start3A_232 = arith.constant 0 : i32
      %dma_start3A_233 = tpu.memref_slice %arg5[%add3A_225, %dma_start3A_232] : memref<204800x64xf32, #tpu.memory_space<hbm>> -> memref<128x64xf32, #tpu.memory_space<hbm>>
      %dma_start3A_234 = arith.constant 0 : i32
      %dma_start3A_235 = arith.constant 0 : i32
      %dma_start3A_236 = tpu.memref_slice %arg8[%add3A_210, %dma_start3A_234, %dma_start3A_235] : memref<10x128x64xf32, #tpu.memory_space<vmem>> -> memref<1x128x64xf32, #tpu.memory_space<vmem>>
      %dma_start3A_237 = tpu.memref_squeeze %dma_start3A_236 : memref<1x128x64xf32, #tpu.memory_space<vmem>> -> memref<128x64xf32, #tpu.memory_space<vmem>>
      tpu.enqueue_dma source(%dma_start3A_237 : memref<128x64xf32, #tpu.memory_space<vmem>>) target(%dma_start3A_233 : memref<128x64xf32, #tpu.memory_space<hbm>>) target_semaphore(%arg10 : memref<!tpu.dma_semaphore, #tpu.memory_space<semaphore_mem>>)
      %mul3A_238 = arith.constant 5 : i32
      %mul3A_239 = arith.muli %rem3A_140, %mul3A_238 : i32
      %add3A_240 = arith.constant 1 : i32
      %add3A_241 = arith.addi %mul3A_239, %add3A_240 : i32
      %mul3A_242 = arith.constant 5 : i32
      %mul3A_243 = arith.muli %scan3A_139, %mul3A_242 : i32
      %add3A_244 = arith.constant 1 : i32
      %add3A_245 = arith.addi %mul3A_243, %add3A_244 : i32
      %scan3A_246 = arith.constant 0 : i32
      %scan3A_247 = arith.constant 0 : i32
      %scan3A_248 = arith.constant 128 : i32
      %scan3A_249 = arith.addi %scan3A_247, %scan3A_248 : i32
      %scan3A_250 = arith.constant 1 : i32
      scf.for %scan3A_362 = %scan3A_247 to %scan3A_249 step %scan3A_250  : i32 {
        %mul3A_363 = arith.constant 128 : i32
        %mul3A_364 = arith.muli %add3A_245, %mul3A_363 : i32
        %add3A_365 = arith.addi %mul3A_364, %scan3A_362 : i32
        %rem3A_366 = arith.constant 200 : i32
        %rem3A_367 = arith.remsi %add3A_365, %rem3A_366 : i32
        %get3A = arith.index_cast %rem3A_367 : i32 to index
        %get3A_368 = arith.constant 0 : index
        %get3A_369 = tpu.vector_load %arg7[%get3A, %get3A_368] {strides = array<i32>} : memref<200x64xf32, #tpu.memory_space<vmem>>, vector<1x16xf32>,
        %get3A_370 = vector.shape_cast %get3A_369 : vector<1x16xf32> to vector<16xf32>
        %swap3A = arith.index_cast %add3A_241 : i32 to index
        %swap3A_371 = arith.index_cast %scan3A_362 : i32 to index
        %swap3A_372 = arith.constant 0 : index
        %swap3A_373 = tpu.vector_load %arg8[%swap3A, %swap3A_371, %swap3A_372] {strides = array<i32>} : memref<10x128x64xf32, #tpu.memory_space<vmem>>, vector<1x1x16xf32>,
        %swap3A_374 = vector.shape_cast %swap3A_373 : vector<1x1x16xf32> to vector<16xf32>
        %swap3A_375 = vector.shape_cast %get3A_370 : vector<16xf32> to vector<1x1x16xf32>
        tpu.vector_store %arg8[%swap3A, %swap3A_371, %swap3A_372], %swap3A_375 {add = true, strides = array<i32>} : memref<10x128x64xf32, #tpu.memory_space<vmem>>, vector<1x1x16xf32>,
        %get3A_376 = arith.index_cast %rem3A_367 : i32 to index
        %get3A_377 = arith.constant 16 : index
        %get3A_378 = tpu.vector_load %arg7[%get3A_376, %get3A_377] {strides = array<i32>} : memref<200x64xf32, #tpu.memory_space<vmem>>, vector<1x16xf32>,
        %get3A_379 = vector.shape_cast %get3A_378 : vector<1x16xf32> to vector<16xf32>
        %swap3A_380 = arith.index_cast %add3A_241 : i32 to index
        %swap3A_381 = arith.index_cast %scan3A_362 : i32 to index
        %swap3A_382 = arith.constant 16 : index
        %swap3A_383 = tpu.vector_load %arg8[%swap3A_380, %swap3A_381, %swap3A_382] {strides = array<i32>} : memref<10x128x64xf32, #tpu.memory_space<vmem>>, vector<1x1x16xf32>,
        %swap3A_384 = vector.shape_cast %swap3A_383 : vector<1x1x16xf32> to vector<16xf32>
        %swap3A_385 = vector.shape_cast %get3A_379 : vector<16xf32> to vector<1x1x16xf32>
        tpu.vector_store %arg8[%swap3A_380, %swap3A_381, %swap3A_382], %swap3A_385 {add = true, strides = array<i32>} : memref<10x128x64xf32, #tpu.memory_space<vmem>>, vector<1x1x16xf32>,
        %get3A_386 = arith.index_cast %rem3A_367 : i32 to index
        %get3A_387 = arith.constant 32 : index
        %get3A_388 = tpu.vector_load %arg7[%get3A_386, %get3A_387] {strides = array<i32>} : memref<200x64xf32, #tpu.memory_space<vmem>>, vector<1x16xf32>,
        %get3A_389 = vector.shape_cast %get3A_388 : vector<1x16xf32> to vector<16xf32>
        %swap3A_390 = arith.index_cast %add3A_241 : i32 to index
        %swap3A_391 = arith.index_cast %scan3A_362 : i32 to index
        %swap3A_392 = arith.constant 32 : index
        %swap3A_393 = tpu.vector_load %arg8[%swap3A_390, %swap3A_391, %swap3A_392] {strides = array<i32>} : memref<10x128x64xf32, #tpu.memory_space<vmem>>, vector<1x1x16xf32>,
        %swap3A_394 = vector.shape_cast %swap3A_393 : vector<1x1x16xf32> to vector<16xf32>
        %swap3A_395 = vector.shape_cast %get3A_389 : vector<16xf32> to vector<1x1x16xf32>
        tpu.vector_store %arg8[%swap3A_390, %swap3A_391, %swap3A_392], %swap3A_395 {add = true, strides = array<i32>} : memref<10x128x64xf32, #tpu.memory_space<vmem>>, vector<1x1x16xf32>,
        %get3A_396 = arith.index_cast %rem3A_367 : i32 to index
        %get3A_397 = arith.constant 48 : index
        %get3A_398 = tpu.vector_load %arg7[%get3A_396, %get3A_397] {strides = array<i32>} : memref<200x64xf32, #tpu.memory_space<vmem>>, vector<1x16xf32>,
        %get3A_399 = vector.shape_cast %get3A_398 : vector<1x16xf32> to vector<16xf32>
        %swap3A_400 = arith.index_cast %add3A_241 : i32 to index
        %swap3A_401 = arith.index_cast %scan3A_362 : i32 to index
        %swap3A_402 = arith.constant 48 : index
        %swap3A_403 = tpu.vector_load %arg8[%swap3A_400, %swap3A_401, %swap3A_402] {strides = array<i32>} : memref<10x128x64xf32, #tpu.memory_space<vmem>>, vector<1x1x16xf32>,
        %swap3A_404 = vector.shape_cast %swap3A_403 : vector<1x1x16xf32> to vector<16xf32>
        %swap3A_405 = vector.shape_cast %get3A_399 : vector<16xf32> to vector<1x1x16xf32>
        tpu.vector_store %arg8[%swap3A_400, %swap3A_401, %swap3A_402], %swap3A_405 {add = true, strides = array<i32>} : memref<10x128x64xf32, #tpu.memory_space<vmem>>, vector<1x1x16xf32>,
      }
      %scan3A_251 = arith.constant 128 : i32
      %mul3A_252 = arith.constant 6400 : i32
      %mul3A_253 = arith.muli %add3A, %mul3A_252 : i32
      %mul3A_254 = arith.constant 128 : i32
      %mul3A_255 = arith.muli %add3A_245, %mul3A_254 : i32
      %add3A_256 = arith.addi %mul3A_253, %mul3A_255 : i32
      %dma_start3A_257 = arith.constant 0 : i32
      %dma_start3A_258 = arith.constant 0 : i32
      %dma_start3A_259 = tpu.memref_slice %arg8[%add3A_241, %dma_start3A_257, %dma_start3A_258] : memref<10x128x64xf32, #tpu.memory_space<vmem>> -> memref<1x128x64xf32, #tpu.memory_space<vmem>>
      %dma_start3A_260 = tpu.memref_squeeze %dma_start3A_259 : memref<1x128x64xf32, #tpu.memory_space<vmem>> -> memref<128x64xf32, #tpu.memory_space<vmem>>
      %dma_start3A_261 = arith.constant 0 : i32
      %dma_start3A_262 = tpu.memref_slice %arg5[%add3A_256, %dma_start3A_261] : memref<204800x64xf32, #tpu.memory_space<hbm>> -> memref<128x64xf32, #tpu.memory_space<hbm>>
      %dma_start3A_263 = arith.constant 0 : i32
      %dma_start3A_264 = tpu.memref_slice %arg5[%add3A_256, %dma_start3A_263] : memref<204800x64xf32, #tpu.memory_space<hbm>> -> memref<128x64xf32, #tpu.memory_space<hbm>>
      %dma_start3A_265 = arith.constant 0 : i32
      %dma_start3A_266 = arith.constant 0 : i32
      %dma_start3A_267 = tpu.memref_slice %arg8[%add3A_241, %dma_start3A_265, %dma_start3A_266] : memref<10x128x64xf32, #tpu.memory_space<vmem>> -> memref<1x128x64xf32, #tpu.memory_space<vmem>>
      %dma_start3A_268 = tpu.memref_squeeze %dma_start3A_267 : memref<1x128x64xf32, #tpu.memory_space<vmem>> -> memref<128x64xf32, #tpu.memory_space<vmem>>
      tpu.enqueue_dma source(%dma_start3A_268 : memref<128x64xf32, #tpu.memory_space<vmem>>) target(%dma_start3A_264 : memref<128x64xf32, #tpu.memory_space<hbm>>) target_semaphore(%arg10 : memref<!tpu.dma_semaphore, #tpu.memory_space<semaphore_mem>>)
      %mul3A_269 = arith.constant 5 : i32
      %mul3A_270 = arith.muli %rem3A_140, %mul3A_269 : i32
      %add3A_271 = arith.constant 2 : i32
      %add3A_272 = arith.addi %mul3A_270, %add3A_271 : i32
      %mul3A_273 = arith.constant 5 : i32
      %mul3A_274 = arith.muli %scan3A_139, %mul3A_273 : i32
      %add3A_275 = arith.constant 2 : i32
      %add3A_276 = arith.addi %mul3A_274, %add3A_275 : i32
      %scan3A_277 = arith.constant 0 : i32
      %scan3A_278 = arith.constant 0 : i32
      %scan3A_279 = arith.constant 128 : i32
      %scan3A_280 = arith.addi %scan3A_278, %scan3A_279 : i32
      %scan3A_281 = arith.constant 1 : i32
      scf.for %scan3A_362 = %scan3A_278 to %scan3A_280 step %scan3A_281  : i32 {
        %mul3A_363 = arith.constant 128 : i32
        %mul3A_364 = arith.muli %add3A_276, %mul3A_363 : i32
        %add3A_365 = arith.addi %mul3A_364, %scan3A_362 : i32
        %rem3A_366 = arith.constant 200 : i32
        %rem3A_367 = arith.remsi %add3A_365, %rem3A_366 : i32
        %get3A = arith.index_cast %rem3A_367 : i32 to index
        %get3A_368 = arith.constant 0 : index
        %get3A_369 = tpu.vector_load %arg7[%get3A, %get3A_368] {strides = array<i32>} : memref<200x64xf32, #tpu.memory_space<vmem>>, vector<1x16xf32>,
        %get3A_370 = vector.shape_cast %get3A_369 : vector<1x16xf32> to vector<16xf32>
        %swap3A = arith.index_cast %add3A_272 : i32 to index
        %swap3A_371 = arith.index_cast %scan3A_362 : i32 to index
        %swap3A_372 = arith.constant 0 : index
        %swap3A_373 = tpu.vector_load %arg8[%swap3A, %swap3A_371, %swap3A_372] {strides = array<i32>} : memref<10x128x64xf32, #tpu.memory_space<vmem>>, vector<1x1x16xf32>,
        %swap3A_374 = vector.shape_cast %swap3A_373 : vector<1x1x16xf32> to vector<16xf32>
        %swap3A_375 = vector.shape_cast %get3A_370 : vector<16xf32> to vector<1x1x16xf32>
        tpu.vector_store %arg8[%swap3A, %swap3A_371, %swap3A_372], %swap3A_375 {add = true, strides = array<i32>} : memref<10x128x64xf32, #tpu.memory_space<vmem>>, vector<1x1x16xf32>,
        %get3A_376 = arith.index_cast %rem3A_367 : i32 to index
        %get3A_377 = arith.constant 16 : index
        %get3A_378 = tpu.vector_load %arg7[%get3A_376, %get3A_377] {strides = array<i32>} : memref<200x64xf32, #tpu.memory_space<vmem>>, vector<1x16xf32>,
        %get3A_379 = vector.shape_cast %get3A_378 : vector<1x16xf32> to vector<16xf32>
        %swap3A_380 = arith.index_cast %add3A_272 : i32 to index
        %swap3A_381 = arith.index_cast %scan3A_362 : i32 to index
        %swap3A_382 = arith.constant 16 : index
        %swap3A_383 = tpu.vector_load %arg8[%swap3A_380, %swap3A_381, %swap3A_382] {strides = array<i32>} : memref<10x128x64xf32, #tpu.memory_space<vmem>>, vector<1x1x16xf32>,
        %swap3A_384 = vector.shape_cast %swap3A_383 : vector<1x1x16xf32> to vector<16xf32>
        %swap3A_385 = vector.shape_cast %get3A_379 : vector<16xf32> to vector<1x1x16xf32>
        tpu.vector_store %arg8[%swap3A_380, %swap3A_381, %swap3A_382], %swap3A_385 {add = true, strides = array<i32>} : memref<10x128x64xf32, #tpu.memory_space<vmem>>, vector<1x1x16xf32>,
        %get3A_386 = arith.index_cast %rem3A_367 : i32 to index
        %get3A_387 = arith.constant 32 : index
        %get3A_388 = tpu.vector_load %arg7[%get3A_386, %get3A_387] {strides = array<i32>} : memref<200x64xf32, #tpu.memory_space<vmem>>, vector<1x16xf32>,
        %get3A_389 = vector.shape_cast %get3A_388 : vector<1x16xf32> to vector<16xf32>
        %swap3A_390 = arith.index_cast %add3A_272 : i32 to index
        %swap3A_391 = arith.index_cast %scan3A_362 : i32 to index
        %swap3A_392 = arith.constant 32 : index
        %swap3A_393 = tpu.vector_load %arg8[%swap3A_390, %swap3A_391, %swap3A_392] {strides = array<i32>} : memref<10x128x64xf32, #tpu.memory_space<vmem>>, vector<1x1x16xf32>,
        %swap3A_394 = vector.shape_cast %swap3A_393 : vector<1x1x16xf32> to vector<16xf32>
        %swap3A_395 = vector.shape_cast %get3A_389 : vector<16xf32> to vector<1x1x16xf32>
        tpu.vector_store %arg8[%swap3A_390, %swap3A_391, %swap3A_392], %swap3A_395 {add = true, strides = array<i32>} : memref<10x128x64xf32, #tpu.memory_space<vmem>>, vector<1x1x16xf32>,
        %get3A_396 = arith.index_cast %rem3A_367 : i32 to index
        %get3A_397 = arith.constant 48 : index
        %get3A_398 = tpu.vector_load %arg7[%get3A_396, %get3A_397] {strides = array<i32>} : memref<200x64xf32, #tpu.memory_space<vmem>>, vector<1x16xf32>,
        %get3A_399 = vector.shape_cast %get3A_398 : vector<1x16xf32> to vector<16xf32>
        %swap3A_400 = arith.index_cast %add3A_272 : i32 to index
        %swap3A_401 = arith.index_cast %scan3A_362 : i32 to index
        %swap3A_402 = arith.constant 48 : index
        %swap3A_403 = tpu.vector_load %arg8[%swap3A_400, %swap3A_401, %swap3A_402] {strides = array<i32>} : memref<10x128x64xf32, #tpu.memory_space<vmem>>, vector<1x1x16xf32>,
        %swap3A_404 = vector.shape_cast %swap3A_403 : vector<1x1x16xf32> to vector<16xf32>
        %swap3A_405 = vector.shape_cast %get3A_399 : vector<16xf32> to vector<1x1x16xf32>
        tpu.vector_store %arg8[%swap3A_400, %swap3A_401, %swap3A_402], %swap3A_405 {add = true, strides = array<i32>} : memref<10x128x64xf32, #tpu.memory_space<vmem>>, vector<1x1x16xf32>,
      }
      %scan3A_282 = arith.constant 128 : i32
      %mul3A_283 = arith.constant 6400 : i32
      %mul3A_284 = arith.muli %add3A, %mul3A_283 : i32
      %mul3A_285 = arith.constant 128 : i32
      %mul3A_286 = arith.muli %add3A_276, %mul3A_285 : i32
      %add3A_287 = arith.addi %mul3A_284, %mul3A_286 : i32
      %dma_start3A_288 = arith.constant 0 : i32
      %dma_start3A_289 = arith.constant 0 : i32
      %dma_start3A_290 = tpu.memref_slice %arg8[%add3A_272, %dma_start3A_288, %dma_start3A_289] : memref<10x128x64xf32, #tpu.memory_space<vmem>> -> memref<1x128x64xf32, #tpu.memory_space<vmem>>
      %dma_start3A_291 = tpu.memref_squeeze %dma_start3A_290 : memref<1x128x64xf32, #tpu.memory_space<vmem>> -> memref<128x64xf32, #tpu.memory_space<vmem>>
      %dma_start3A_292 = arith.constant 0 : i32
      %dma_start3A_293 = tpu.memref_slice %arg5[%add3A_287, %dma_start3A_292] : memref<204800x64xf32, #tpu.memory_space<hbm>> -> memref<128x64xf32, #tpu.memory_space<hbm>>
      %dma_start3A_294 = arith.constant 0 : i32
      %dma_start3A_295 = tpu.memref_slice %arg5[%add3A_287, %dma_start3A_294] : memref<204800x64xf32, #tpu.memory_space<hbm>> -> memref<128x64xf32, #tpu.memory_space<hbm>>
      %dma_start3A_296 = arith.constant 0 : i32
      %dma_start3A_297 = arith.constant 0 : i32
      %dma_start3A_298 = tpu.memref_slice %arg8[%add3A_272, %dma_start3A_296, %dma_start3A_297] : memref<10x128x64xf32, #tpu.memory_space<vmem>> -> memref<1x128x64xf32, #tpu.memory_space<vmem>>
      %dma_start3A_299 = tpu.memref_squeeze %dma_start3A_298 : memref<1x128x64xf32, #tpu.memory_space<vmem>> -> memref<128x64xf32, #tpu.memory_space<vmem>>
      tpu.enqueue_dma source(%dma_start3A_299 : memref<128x64xf32, #tpu.memory_space<vmem>>) target(%dma_start3A_295 : memref<128x64xf32, #tpu.memory_space<hbm>>) target_semaphore(%arg10 : memref<!tpu.dma_semaphore, #tpu.memory_space<semaphore_mem>>)
      %mul3A_300 = arith.constant 5 : i32
      %mul3A_301 = arith.muli %rem3A_140, %mul3A_300 : i32
      %add3A_302 = arith.constant 3 : i32
      %add3A_303 = arith.addi %mul3A_301, %add3A_302 : i32
      %mul3A_304 = arith.constant 5 : i32
      %mul3A_305 = arith.muli %scan3A_139, %mul3A_304 : i32
      %add3A_306 = arith.constant 3 : i32
      %add3A_307 = arith.addi %mul3A_305, %add3A_306 : i32
      %scan3A_308 = arith.constant 0 : i32
      %scan3A_309 = arith.constant 0 : i32
      %scan3A_310 = arith.constant 128 : i32
      %scan3A_311 = arith.addi %scan3A_309, %scan3A_310 : i32
      %scan3A_312 = arith.constant 1 : i32
      scf.for %scan3A_362 = %scan3A_309 to %scan3A_311 step %scan3A_312  : i32 {
        %mul3A_363 = arith.constant 128 : i32
        %mul3A_364 = arith.muli %add3A_307, %mul3A_363 : i32
        %add3A_365 = arith.addi %mul3A_364, %scan3A_362 : i32
        %rem3A_366 = arith.constant 200 : i32
        %rem3A_367 = arith.remsi %add3A_365, %rem3A_366 : i32
        %get3A = arith.index_cast %rem3A_367 : i32 to index
        %get3A_368 = arith.constant 0 : index
        %get3A_369 = tpu.vector_load %arg7[%get3A, %get3A_368] {strides = array<i32>} : memref<200x64xf32, #tpu.memory_space<vmem>>, vector<1x16xf32>,
        %get3A_370 = vector.shape_cast %get3A_369 : vector<1x16xf32> to vector<16xf32>
        %swap3A = arith.index_cast %add3A_303 : i32 to index
        %swap3A_371 = arith.index_cast %scan3A_362 : i32 to index
        %swap3A_372 = arith.constant 0 : index
        %swap3A_373 = tpu.vector_load %arg8[%swap3A, %swap3A_371, %swap3A_372] {strides = array<i32>} : memref<10x128x64xf32, #tpu.memory_space<vmem>>, vector<1x1x16xf32>,
        %swap3A_374 = vector.shape_cast %swap3A_373 : vector<1x1x16xf32> to vector<16xf32>
        %swap3A_375 = vector.shape_cast %get3A_370 : vector<16xf32> to vector<1x1x16xf32>
        tpu.vector_store %arg8[%swap3A, %swap3A_371, %swap3A_372], %swap3A_375 {add = true, strides = array<i32>} : memref<10x128x64xf32, #tpu.memory_space<vmem>>, vector<1x1x16xf32>,
        %get3A_376 = arith.index_cast %rem3A_367 : i32 to index
        %get3A_377 = arith.constant 16 : index
        %get3A_378 = tpu.vector_load %arg7[%get3A_376, %get3A_377] {strides = array<i32>} : memref<200x64xf32, #tpu.memory_space<vmem>>, vector<1x16xf32>,
        %get3A_379 = vector.shape_cast %get3A_378 : vector<1x16xf32> to vector<16xf32>
        %swap3A_380 = arith.index_cast %add3A_303 : i32 to index
        %swap3A_381 = arith.index_cast %scan3A_362 : i32 to index
        %swap3A_382 = arith.constant 16 : index
        %swap3A_383 = tpu.vector_load %arg8[%swap3A_380, %swap3A_381, %swap3A_382] {strides = array<i32>} : memref<10x128x64xf32, #tpu.memory_space<vmem>>, vector<1x1x16xf32>,
        %swap3A_384 = vector.shape_cast %swap3A_383 : vector<1x1x16xf32> to vector<16xf32>
        %swap3A_385 = vector.shape_cast %get3A_379 : vector<16xf32> to vector<1x1x16xf32>
        tpu.vector_store %arg8[%swap3A_380, %swap3A_381, %swap3A_382], %swap3A_385 {add = true, strides = array<i32>} : memref<10x128x64xf32, #tpu.memory_space<vmem>>, vector<1x1x16xf32>,
        %get3A_386 = arith.index_cast %rem3A_367 : i32 to index
        %get3A_387 = arith.constant 32 : index
        %get3A_388 = tpu.vector_load %arg7[%get3A_386, %get3A_387] {strides = array<i32>} : memref<200x64xf32, #tpu.memory_space<vmem>>, vector<1x16xf32>,
        %get3A_389 = vector.shape_cast %get3A_388 : vector<1x16xf32> to vector<16xf32>
        %swap3A_390 = arith.index_cast %add3A_303 : i32 to index
        %swap3A_391 = arith.index_cast %scan3A_362 : i32 to index
        %swap3A_392 = arith.constant 32 : index
        %swap3A_393 = tpu.vector_load %arg8[%swap3A_390, %swap3A_391, %swap3A_392] {strides = array<i32>} : memref<10x128x64xf32, #tpu.memory_space<vmem>>, vector<1x1x16xf32>,
        %swap3A_394 = vector.shape_cast %swap3A_393 : vector<1x1x16xf32> to vector<16xf32>
        %swap3A_395 = vector.shape_cast %get3A_389 : vector<16xf32> to vector<1x1x16xf32>
        tpu.vector_store %arg8[%swap3A_390, %swap3A_391, %swap3A_392], %swap3A_395 {add = true, strides = array<i32>} : memref<10x128x64xf32, #tpu.memory_space<vmem>>, vector<1x1x16xf32>,
        %get3A_396 = arith.index_cast %rem3A_367 : i32 to index
        %get3A_397 = arith.constant 48 : index
        %get3A_398 = tpu.vector_load %arg7[%get3A_396, %get3A_397] {strides = array<i32>} : memref<200x64xf32, #tpu.memory_space<vmem>>, vector<1x16xf32>,
        %get3A_399 = vector.shape_cast %get3A_398 : vector<1x16xf32> to vector<16xf32>
        %swap3A_400 = arith.index_cast %add3A_303 : i32 to index
        %swap3A_401 = arith.index_cast %scan3A_362 : i32 to index
        %swap3A_402 = arith.constant 48 : index
        %swap3A_403 = tpu.vector_load %arg8[%swap3A_400, %swap3A_401, %swap3A_402] {strides = array<i32>} : memref<10x128x64xf32, #tpu.memory_space<vmem>>, vector<1x1x16xf32>,
        %swap3A_404 = vector.shape_cast %swap3A_403 : vector<1x1x16xf32> to vector<16xf32>
        %swap3A_405 = vector.shape_cast %get3A_399 : vector<16xf32> to vector<1x1x16xf32>
        tpu.vector_store %arg8[%swap3A_400, %swap3A_401, %swap3A_402], %swap3A_405 {add = true, strides = array<i32>} : memref<10x128x64xf32, #tpu.memory_space<vmem>>, vector<1x1x16xf32>,
      }
      %scan3A_313 = arith.constant 128 : i32
      %mul3A_314 = arith.constant 6400 : i32
      %mul3A_315 = arith.muli %add3A, %mul3A_314 : i32
      %mul3A_316 = arith.constant 128 : i32
      %mul3A_317 = arith.muli %add3A_307, %mul3A_316 : i32
      %add3A_318 = arith.addi %mul3A_315, %mul3A_317 : i32
      %dma_start3A_319 = arith.constant 0 : i32
      %dma_start3A_320 = arith.constant 0 : i32
      %dma_start3A_321 = tpu.memref_slice %arg8[%add3A_303, %dma_start3A_319, %dma_start3A_320] : memref<10x128x64xf32, #tpu.memory_space<vmem>> -> memref<1x128x64xf32, #tpu.memory_space<vmem>>
      %dma_start3A_322 = tpu.memref_squeeze %dma_start3A_321 : memref<1x128x64xf32, #tpu.memory_space<vmem>> -> memref<128x64xf32, #tpu.memory_space<vmem>>
      %dma_start3A_323 = arith.constant 0 : i32
      %dma_start3A_324 = tpu.memref_slice %arg5[%add3A_318, %dma_start3A_323] : memref<204800x64xf32, #tpu.memory_space<hbm>> -> memref<128x64xf32, #tpu.memory_space<hbm>>
      %dma_start3A_325 = arith.constant 0 : i32
      %dma_start3A_326 = tpu.memref_slice %arg5[%add3A_318, %dma_start3A_325] : memref<204800x64xf32, #tpu.memory_space<hbm>> -> memref<128x64xf32, #tpu.memory_space<hbm>>
      %dma_start3A_327 = arith.constant 0 : i32
      %dma_start3A_328 = arith.constant 0 : i32
      %dma_start3A_329 = tpu.memref_slice %arg8[%add3A_303, %dma_start3A_327, %dma_start3A_328] : memref<10x128x64xf32, #tpu.memory_space<vmem>> -> memref<1x128x64xf32, #tpu.memory_space<vmem>>
      %dma_start3A_330 = tpu.memref_squeeze %dma_start3A_329 : memref<1x128x64xf32, #tpu.memory_space<vmem>> -> memref<128x64xf32, #tpu.memory_space<vmem>>
      tpu.enqueue_dma source(%dma_start3A_330 : memref<128x64xf32, #tpu.memory_space<vmem>>) target(%dma_start3A_326 : memref<128x64xf32, #tpu.memory_space<hbm>>) target_semaphore(%arg10 : memref<!tpu.dma_semaphore, #tpu.memory_space<semaphore_mem>>)
      %mul3A_331 = arith.constant 5 : i32
      %mul3A_332 = arith.muli %rem3A_140, %mul3A_331 : i32
      %add3A_333 = arith.constant 4 : i32
      %add3A_334 = arith.addi %mul3A_332, %add3A_333 : i32
      %mul3A_335 = arith.constant 5 : i32
      %mul3A_336 = arith.muli %scan3A_139, %mul3A_335 : i32
      %add3A_337 = arith.constant 4 : i32
      %add3A_338 = arith.addi %mul3A_336, %add3A_337 : i32
      %scan3A_339 = arith.constant 0 : i32
      %scan3A_340 = arith.constant 0 : i32
      %scan3A_341 = arith.constant 128 : i32
      %scan3A_342 = arith.addi %scan3A_340, %scan3A_341 : i32
      %scan3A_343 = arith.constant 1 : i32
      scf.for %scan3A_362 = %scan3A_340 to %scan3A_342 step %scan3A_343  : i32 {
        %mul3A_363 = arith.constant 128 : i32
        %mul3A_364 = arith.muli %add3A_338, %mul3A_363 : i32
        %add3A_365 = arith.addi %mul3A_364, %scan3A_362 : i32
        %rem3A_366 = arith.constant 200 : i32
        %rem3A_367 = arith.remsi %add3A_365, %rem3A_366 : i32
        %get3A = arith.index_cast %rem3A_367 : i32 to index
        %get3A_368 = arith.constant 0 : index
        %get3A_369 = tpu.vector_load %arg7[%get3A, %get3A_368] {strides = array<i32>} : memref<200x64xf32, #tpu.memory_space<vmem>>, vector<1x16xf32>,
        %get3A_370 = vector.shape_cast %get3A_369 : vector<1x16xf32> to vector<16xf32>
        %swap3A = arith.index_cast %add3A_334 : i32 to index
        %swap3A_371 = arith.index_cast %scan3A_362 : i32 to index
        %swap3A_372 = arith.constant 0 : index
        %swap3A_373 = tpu.vector_load %arg8[%swap3A, %swap3A_371, %swap3A_372] {strides = array<i32>} : memref<10x128x64xf32, #tpu.memory_space<vmem>>, vector<1x1x16xf32>,
        %swap3A_374 = vector.shape_cast %swap3A_373 : vector<1x1x16xf32> to vector<16xf32>
        %swap3A_375 = vector.shape_cast %get3A_370 : vector<16xf32> to vector<1x1x16xf32>
        tpu.vector_store %arg8[%swap3A, %swap3A_371, %swap3A_372], %swap3A_375 {add = true, strides = array<i32>} : memref<10x128x64xf32, #tpu.memory_space<vmem>>, vector<1x1x16xf32>,
        %get3A_376 = arith.index_cast %rem3A_367 : i32 to index
        %get3A_377 = arith.constant 16 : index
        %get3A_378 = tpu.vector_load %arg7[%get3A_376, %get3A_377] {strides = array<i32>} : memref<200x64xf32, #tpu.memory_space<vmem>>, vector<1x16xf32>,
        %get3A_379 = vector.shape_cast %get3A_378 : vector<1x16xf32> to vector<16xf32>
        %swap3A_380 = arith.index_cast %add3A_334 : i32 to index
        %swap3A_381 = arith.index_cast %scan3A_362 : i32 to index
        %swap3A_382 = arith.constant 16 : index
        %swap3A_383 = tpu.vector_load %arg8[%swap3A_380, %swap3A_381, %swap3A_382] {strides = array<i32>} : memref<10x128x64xf32, #tpu.memory_space<vmem>>, vector<1x1x16xf32>,
        %swap3A_384 = vector.shape_cast %swap3A_383 : vector<1x1x16xf32> to vector<16xf32>
        %swap3A_385 = vector.shape_cast %get3A_379 : vector<16xf32> to vector<1x1x16xf32>
        tpu.vector_store %arg8[%swap3A_380, %swap3A_381, %swap3A_382], %swap3A_385 {add = true, strides = array<i32>} : memref<10x128x64xf32, #tpu.memory_space<vmem>>, vector<1x1x16xf32>,
        %get3A_386 = arith.index_cast %rem3A_367 : i32 to index
        %get3A_387 = arith.constant 32 : index
        %get3A_388 = tpu.vector_load %arg7[%get3A_386, %get3A_387] {strides = array<i32>} : memref<200x64xf32, #tpu.memory_space<vmem>>, vector<1x16xf32>,
        %get3A_389 = vector.shape_cast %get3A_388 : vector<1x16xf32> to vector<16xf32>
        %swap3A_390 = arith.index_cast %add3A_334 : i32 to index
        %swap3A_391 = arith.index_cast %scan3A_362 : i32 to index
        %swap3A_392 = arith.constant 32 : index
        %swap3A_393 = tpu.vector_load %arg8[%swap3A_390, %swap3A_391, %swap3A_392] {strides = array<i32>} : memref<10x128x64xf32, #tpu.memory_space<vmem>>, vector<1x1x16xf32>,
        %swap3A_394 = vector.shape_cast %swap3A_393 : vector<1x1x16xf32> to vector<16xf32>
        %swap3A_395 = vector.shape_cast %get3A_389 : vector<16xf32> to vector<1x1x16xf32>
        tpu.vector_store %arg8[%swap3A_390, %swap3A_391, %swap3A_392], %swap3A_395 {add = true, strides = array<i32>} : memref<10x128x64xf32, #tpu.memory_space<vmem>>, vector<1x1x16xf32>,
        %get3A_396 = arith.index_cast %rem3A_367 : i32 to index
        %get3A_397 = arith.constant 48 : index
        %get3A_398 = tpu.vector_load %arg7[%get3A_396, %get3A_397] {strides = array<i32>} : memref<200x64xf32, #tpu.memory_space<vmem>>, vector<1x16xf32>,
        %get3A_399 = vector.shape_cast %get3A_398 : vector<1x16xf32> to vector<16xf32>
        %swap3A_400 = arith.index_cast %add3A_334 : i32 to index
        %swap3A_401 = arith.index_cast %scan3A_362 : i32 to index
        %swap3A_402 = arith.constant 48 : index
        %swap3A_403 = tpu.vector_load %arg8[%swap3A_400, %swap3A_401, %swap3A_402] {strides = array<i32>} : memref<10x128x64xf32, #tpu.memory_space<vmem>>, vector<1x1x16xf32>,
        %swap3A_404 = vector.shape_cast %swap3A_403 : vector<1x1x16xf32> to vector<16xf32>
        %swap3A_405 = vector.shape_cast %get3A_399 : vector<16xf32> to vector<1x1x16xf32>
        tpu.vector_store %arg8[%swap3A_400, %swap3A_401, %swap3A_402], %swap3A_405 {add = true, strides = array<i32>} : memref<10x128x64xf32, #tpu.memory_space<vmem>>, vector<1x1x16xf32>,
      }
      %scan3A_344 = arith.constant 128 : i32
      %mul3A_345 = arith.constant 6400 : i32
      %mul3A_346 = arith.muli %add3A, %mul3A_345 : i32
      %mul3A_347 = arith.constant 128 : i32
      %mul3A_348 = arith.muli %add3A_338, %mul3A_347 : i32
      %add3A_349 = arith.addi %mul3A_346, %mul3A_348 : i32
      %dma_start3A_350 = arith.constant 0 : i32
      %dma_start3A_351 = arith.constant 0 : i32
      %dma_start3A_352 = tpu.memref_slice %arg8[%add3A_334, %dma_start3A_350, %dma_start3A_351] : memref<10x128x64xf32, #tpu.memory_space<vmem>> -> memref<1x128x64xf32, #tpu.memory_space<vmem>>
      %dma_start3A_353 = tpu.memref_squeeze %dma_start3A_352 : memref<1x128x64xf32, #tpu.memory_space<vmem>> -> memref<128x64xf32, #tpu.memory_space<vmem>>
      %dma_start3A_354 = arith.constant 0 : i32
      %dma_start3A_355 = tpu.memref_slice %arg5[%add3A_349, %dma_start3A_354] : memref<204800x64xf32, #tpu.memory_space<hbm>> -> memref<128x64xf32, #tpu.memory_space<hbm>>
      %dma_start3A_356 = arith.constant 0 : i32
      %dma_start3A_357 = tpu.memref_slice %arg5[%add3A_349, %dma_start3A_356] : memref<204800x64xf32, #tpu.memory_space<hbm>> -> memref<128x64xf32, #tpu.memory_space<hbm>>
      %dma_start3A_358 = arith.constant 0 : i32
      %dma_start3A_359 = arith.constant 0 : i32
      %dma_start3A_360 = tpu.memref_slice %arg8[%add3A_334, %dma_start3A_358, %dma_start3A_359] : memref<10x128x64xf32, #tpu.memory_space<vmem>> -> memref<1x128x64xf32, #tpu.memory_space<vmem>>
      %dma_start3A_361 = tpu.memref_squeeze %dma_start3A_360 : memref<1x128x64xf32, #tpu.memory_space<vmem>> -> memref<128x64xf32, #tpu.memory_space<vmem>>
      tpu.enqueue_dma source(%dma_start3A_361 : memref<128x64xf32, #tpu.memory_space<vmem>>) target(%dma_start3A_357 : memref<128x64xf32, #tpu.memory_space<hbm>>) target_semaphore(%arg10 : memref<!tpu.dma_semaphore, #tpu.memory_space<semaphore_mem>>)
    }
    %scan3A_64 = arith.constant 10 : i32
    %dma_wait3A = arith.constant 0 : i32
    %dma_wait3A_65 = arith.constant 0 : i32
    %dma_wait3A_66 = arith.constant 0 : i32
    %dma_wait3A_67 = tpu.memref_slice %arg8[%dma_wait3A, %dma_wait3A_65, %dma_wait3A_66] : memref<10x128x64xf32, #tpu.memory_space<vmem>> -> memref<1x128x64xf32, #tpu.memory_space<vmem>>
    %dma_wait3A_68 = tpu.memref_squeeze %dma_wait3A_67 : memref<1x128x64xf32, #tpu.memory_space<vmem>> -> memref<128x64xf32, #tpu.memory_space<vmem>>
    %dma_wait3A_69 = arith.constant 0 : i32
    %dma_wait3A_70 = arith.constant 0 : i32
    %dma_wait3A_71 = tpu.memref_slice %arg5[%dma_wait3A_69, %dma_wait3A_70] : memref<204800x64xf32, #tpu.memory_space<hbm>> -> memref<128x64xf32, #tpu.memory_space<hbm>>
    %dma_wait3A_72 = arith.constant 0 : i32
    %dma_wait3A_73 = arith.constant 0 : i32
    %dma_wait3A_74 = tpu.memref_slice %arg5[%dma_wait3A_72, %dma_wait3A_73] : memref<204800x64xf32, #tpu.memory_space<hbm>> -> memref<128x64xf32, #tpu.memory_space<hbm>>
    %dma_wait3A_75 = arith.constant 0 : i32
    %dma_wait3A_76 = arith.constant 0 : i32
    %dma_wait3A_77 = tpu.memref_slice %arg8[%dma_wait3A, %dma_wait3A_75, %dma_wait3A_76] : memref<10x128x64xf32, #tpu.memory_space<vmem>> -> memref<1x128x64xf32, #tpu.memory_space<vmem>>
    %dma_wait3A_78 = tpu.memref_squeeze %dma_wait3A_77 : memref<1x128x64xf32, #tpu.memory_space<vmem>> -> memref<128x64xf32, #tpu.memory_space<vmem>>
    tpu.wait_dma2 semaphore(%arg10 : memref<!tpu.dma_semaphore, #tpu.memory_space<semaphore_mem>>) src(%dma_wait3A_78 : memref<128x64xf32, #tpu.memory_space<vmem>>) dst(%dma_wait3A_74 : memref<128x64xf32, #tpu.memory_space<hbm>>)
    %dma_wait3A_79 = arith.constant 0 : i32
    %dma_wait3A_80 = arith.constant 0 : i32
    %dma_wait3A_81 = arith.constant 0 : i32
    %dma_wait3A_82 = tpu.memref_slice %arg8[%dma_wait3A_79, %dma_wait3A_80, %dma_wait3A_81] : memref<10x128x64xf32, #tpu.memory_space<vmem>> -> memref<1x128x64xf32, #tpu.memory_space<vmem>>
    %dma_wait3A_83 = tpu.memref_squeeze %dma_wait3A_82 : memref<1x128x64xf32, #tpu.memory_space<vmem>> -> memref<128x64xf32, #tpu.memory_space<vmem>>
    %dma_wait3A_84 = arith.constant 0 : i32
    %dma_wait3A_85 = arith.constant 0 : i32
    %dma_wait3A_86 = tpu.memref_slice %arg5[%dma_wait3A_84, %dma_wait3A_85] : memref<204800x64xf32, #tpu.memory_space<hbm>> -> memref<128x64xf32, #tpu.memory_space<hbm>>
    %dma_wait3A_87 = arith.constant 0 : i32
    %dma_wait3A_88 = arith.constant 0 : i32
    %dma_wait3A_89 = tpu.memref_slice %arg5[%dma_wait3A_87, %dma_wait3A_88] : memref<204800x64xf32, #tpu.memory_space<hbm>> -> memref<128x64xf32, #tpu.memory_space<hbm>>
    %dma_wait3A_90 = arith.constant 0 : i32
    %dma_wait3A_91 = arith.constant 0 : i32
    %dma_wait3A_92 = tpu.memref_slice %arg8[%dma_wait3A_79, %dma_wait3A_90, %dma_wait3A_91] : memref<10x128x64xf32, #tpu.memory_space<vmem>> -> memref<1x128x64xf32, #tpu.memory_space<vmem>>
    %dma_wait3A_93 = tpu.memref_squeeze %dma_wait3A_92 : memref<1x128x64xf32, #tpu.memory_space<vmem>> -> memref<128x64xf32, #tpu.memory_space<vmem>>
    tpu.wait_dma2 semaphore(%arg10 : memref<!tpu.dma_semaphore, #tpu.memory_space<semaphore_mem>>) src(%dma_wait3A_93 : memref<128x64xf32, #tpu.memory_space<vmem>>) dst(%dma_wait3A_89 : memref<128x64xf32, #tpu.memory_space<hbm>>)
    %dma_wait3A_94 = arith.constant 0 : i32
    %dma_wait3A_95 = arith.constant 0 : i32
    %dma_wait3A_96 = arith.constant 0 : i32
    %dma_wait3A_97 = tpu.memref_slice %arg8[%dma_wait3A_94, %dma_wait3A_95, %dma_wait3A_96] : memref<10x128x64xf32, #tpu.memory_space<vmem>> -> memref<1x128x64xf32, #tpu.memory_space<vmem>>
    %dma_wait3A_98 = tpu.memref_squeeze %dma_wait3A_97 : memref<1x128x64xf32, #tpu.memory_space<vmem>> -> memref<128x64xf32, #tpu.memory_space<vmem>>
    %dma_wait3A_99 = arith.constant 0 : i32
    %dma_wait3A_100 = arith.constant 0 : i32
    %dma_wait3A_101 = tpu.memref_slice %arg5[%dma_wait3A_99, %dma_wait3A_100] : memref<204800x64xf32, #tpu.memory_space<hbm>> -> memref<128x64xf32, #tpu.memory_space<hbm>>
    %dma_wait3A_102 = arith.constant 0 : i32
    %dma_wait3A_103 = arith.constant 0 : i32
    %dma_wait3A_104 = tpu.memref_slice %arg5[%dma_wait3A_102, %dma_wait3A_103] : memref<204800x64xf32, #tpu.memory_space<hbm>> -> memref<128x64xf32, #tpu.memory_space<hbm>>
    %dma_wait3A_105 = arith.constant 0 : i32
    %dma_wait3A_106 = arith.constant 0 : i32
    %dma_wait3A_107 = tpu.memref_slice %arg8[%dma_wait3A_94, %dma_wait3A_105, %dma_wait3A_106] : memref<10x128x64xf32, #tpu.memory_space<vmem>> -> memref<1x128x64xf32, #tpu.memory_space<vmem>>
    %dma_wait3A_108 = tpu.memref_squeeze %dma_wait3A_107 : memref<1x128x64xf32, #tpu.memory_space<vmem>> -> memref<128x64xf32, #tpu.memory_space<vmem>>
    tpu.wait_dma2 semaphore(%arg10 : memref<!tpu.dma_semaphore, #tpu.memory_space<semaphore_mem>>) src(%dma_wait3A_108 : memref<128x64xf32, #tpu.memory_space<vmem>>) dst(%dma_wait3A_104 : memref<128x64xf32, #tpu.memory_space<hbm>>)
    %dma_wait3A_109 = arith.constant 0 : i32
    %dma_wait3A_110 = arith.constant 0 : i32
    %dma_wait3A_111 = arith.constant 0 : i32
    %dma_wait3A_112 = tpu.memref_slice %arg8[%dma_wait3A_109, %dma_wait3A_110, %dma_wait3A_111] : memref<10x128x64xf32, #tpu.memory_space<vmem>> -> memref<1x128x64xf32, #tpu.memory_space<vmem>>
    %dma_wait3A_113 = tpu.memref_squeeze %dma_wait3A_112 : memref<1x128x64xf32, #tpu.memory_space<vmem>> -> memref<128x64xf32, #tpu.memory_space<vmem>>
    %dma_wait3A_114 = arith.constant 0 : i32
    %dma_wait3A_115 = arith.constant 0 : i32
    %dma_wait3A_116 = tpu.memref_slice %arg5[%dma_wait3A_114, %dma_wait3A_115] : memref<204800x64xf32, #tpu.memory_space<hbm>> -> memref<128x64xf32, #tpu.memory_space<hbm>>
    %dma_wait3A_117 = arith.constant 0 : i32
    %dma_wait3A_118 = arith.constant 0 : i32
    %dma_wait3A_119 = tpu.memref_slice %arg5[%dma_wait3A_117, %dma_wait3A_118] : memref<204800x64xf32, #tpu.memory_space<hbm>> -> memref<128x64xf32, #tpu.memory_space<hbm>>
    %dma_wait3A_120 = arith.constant 0 : i32
    %dma_wait3A_121 = arith.constant 0 : i32
    %dma_wait3A_122 = tpu.memref_slice %arg8[%dma_wait3A_109, %dma_wait3A_120, %dma_wait3A_121] : memref<10x128x64xf32, #tpu.memory_space<vmem>> -> memref<1x128x64xf32, #tpu.memory_space<vmem>>
    %dma_wait3A_123 = tpu.memref_squeeze %dma_wait3A_122 : memref<1x128x64xf32, #tpu.memory_space<vmem>> -> memref<128x64xf32, #tpu.memory_space<vmem>>
    tpu.wait_dma2 semaphore(%arg10 : memref<!tpu.dma_semaphore, #tpu.memory_space<semaphore_mem>>) src(%dma_wait3A_123 : memref<128x64xf32, #tpu.memory_space<vmem>>) dst(%dma_wait3A_119 : memref<128x64xf32, #tpu.memory_space<hbm>>)
    %dma_wait3A_124 = arith.constant 0 : i32
    %dma_wait3A_125 = arith.constant 0 : i32
    %dma_wait3A_126 = arith.constant 0 : i32
    %dma_wait3A_127 = tpu.memref_slice %arg8[%dma_wait3A_124, %dma_wait3A_125, %dma_wait3A_126] : memref<10x128x64xf32, #tpu.memory_space<vmem>> -> memref<1x128x64xf32, #tpu.memory_space<vmem>>
    %dma_wait3A_128 = tpu.memref_squeeze %dma_wait3A_127 : memref<1x128x64xf32, #tpu.memory_space<vmem>> -> memref<128x64xf32, #tpu.memory_space<vmem>>
    %dma_wait3A_129 = arith.constant 0 : i32
    %dma_wait3A_130 = arith.constant 0 : i32
    %dma_wait3A_131 = tpu.memref_slice %arg5[%dma_wait3A_129, %dma_wait3A_130] : memref<204800x64xf32, #tpu.memory_space<hbm>> -> memref<128x64xf32, #tpu.memory_space<hbm>>
    %dma_wait3A_132 = arith.constant 0 : i32
    %dma_wait3A_133 = arith.constant 0 : i32
    %dma_wait3A_134 = tpu.memref_slice %arg5[%dma_wait3A_132, %dma_wait3A_133] : memref<204800x64xf32, #tpu.memory_space<hbm>> -> memref<128x64xf32, #tpu.memory_space<hbm>>
    %dma_wait3A_135 = arith.constant 0 : i32
    %dma_wait3A_136 = arith.constant 0 : i32
    %dma_wait3A_137 = tpu.memref_slice %arg8[%dma_wait3A_124, %dma_wait3A_135, %dma_wait3A_136] : memref<10x128x64xf32, #tpu.memory_space<vmem>> -> memref<1x128x64xf32, #tpu.memory_space<vmem>>
    %dma_wait3A_138 = tpu.memref_squeeze %dma_wait3A_137 : memref<1x128x64xf32, #tpu.memory_space<vmem>> -> memref<128x64xf32, #tpu.memory_space<vmem>>
    tpu.wait_dma2 semaphore(%arg10 : memref<!tpu.dma_semaphore, #tpu.memory_space<semaphore_mem>>) src(%dma_wait3A_138 : memref<128x64xf32, #tpu.memory_space<vmem>>) dst(%dma_wait3A_134 : memref<128x64xf32, #tpu.memory_space<hbm>>)
    return
  }
}

</mosaic_0001>

<sc_bundles>
// kernel: _run.3.cloned.1.call-start
scs
__scs_entry_jumppad:
0x0: {  	(pc) =	sbr.rel $0x88, $3  }
0x1: {  	(tag) =	ssettag $0x0;
	lr =	simm.s32 $0x1  }
0x2: {  	[smem:$0x3F9E] =	sst lr;
	_ =	strace $0xD0000000  }
0x3: {  	_ = 	snop  }
0x4: {  	_ = 	snop  }
0x5: {  	_ = 	snop  }
0x6: {  	_ = 	snop  }
0x7: {  	_ = 	snop  }
__scs_overlays_trampoline_lowered:
0x8: {  	[smem:$0x3FAD] =	sst s0  }
0x9: {  	[smem:$0x3FAE] =	sst s1  }
0xa: {  	[smem:$0x3FAF] =	sst s2  }
0xb: {  	[smem:$0x3FB0] =	sst s3  }
0xc: {  	[smem:$0x3FB1] =	sst s4  }
0xd: {  	[smem:$0x3FB2] =	sst s5  }
0xe: {  	[smem:$0x3FB3] =	sst s6  }
0xf: {  	[smem:$0x3FB4] =	sst s7  }
0x10: {  	[smem:$0x3FB5] =	sst s8  }
0x11: {  	[smem:$0x3FB6] =	sst s9;
	s0 =	simm.s32 @!p0 $0x0  }
0x12: {  	s1 =	sld [smem:$0x3F9C];
	s0 =	simm.s32 @p0 $0x1  }
0x13: {  	[smem:$0x3FB7] =	sst s0;
	s0 =	simm.s32 @!p1 $0x0  }
0x14: {  	s2 =	sld [smem:$0x3F9B];
	s0 =	simm.s32 @p1 $0x1  }
0x15: {  	[smem:$0x3FB8] =	sst s0;
	s0 =	simm.s32 @!p2 $0x0  }
0x16: {  	s3 =	sld [smem:$0x3FDB];
	s0 =	simm.s32 @p2 $0x1  }
0x17: {  	s4 =	simm.s32 $0x1BF5;
	[smem:$0x3FBA] =	sst s0  }
0x18: {  	s0 =	sld [smem:$0x3F9D];
	_ =	swait.ge [sflag:s4], $0x0  }
0x19: {  	s7 =	sld [smem:$0x3F9E]  }
0x1a: {  	s8 =	sadd.s32 $0xFFFFE003, lr  }
0x1b: {  	s9 =	sadd.s32 $0xFFFFFEF7, lr;
	s5 =	simm.s32 $0xFFFFFFFF;
	p2 =	slt.u32 s8, $0xFFFFF086  }
0x1c: {  	p1 =	slt.u32 s9, $0xF7A;
	s5 =	simm.s32 @!p2 $0x0  }
0x1d: {  	s5 =	simm.s32 @p1 $0x1;
	p0 =	seq.s32 s7, s2  }
0x1e: {  	s7 =	smul.u32 @!p0 $0xF7A, s2;
	p2 =	seq.s32 @!p0 s5, $0x0  }
0x1f: {  	s9 =	smul.u32 $0xF7A, s1;
	s8 =	simm.s32 @!p0 $0x1BF5;
	p2 =	por !p2, p0  }
0x20: {  	[sflag:s8] =	ssyncset.s32 @!p0 $0xFFFFF086;
	s6 =	sadd.s32 @!p0 s3, s7;
	s7 =	simm.s32 @!p0 $0x108  }
0x21: {  	s3 =	sadd.s32 s3, s9;
	s6 =	sadd.s32 @!p0 $0x88, s6;
	s7 =	simm.s32 @p2 $0x1082  }
0x22: {  	[simem:s7], [sflag:s8] =	dma.local @!p0 [hbm:s6], $0xF7A  }
0x23: {  	s9 =	sor.u32 $0xD0000000, s2;
	s6 =	simm.s32 $0x108;
	_ =	swait.ge @!p0 [sflag:s8], $0x0  }
0x24: {  	s3 =	sadd.s32 $0x88, s3;
	s6 =	simm.s32 @!p1 $0x1082;
	[sflag:s4] =	ssyncset.s32 $0xFFFFF086  }
0x25: {  	[simem:s6], [sflag:s4] =	dma.local [hbm:s3], $0xF7A  }
0x26: {  	[smem:$0x3F9E] =	sst s1;
	(tag) =	ssettag s2;
	_ =	strace s9  }
0x27: {  	s1 =	sld [smem:$0x3FAE]  }
0x28: {  	s2 =	sld [smem:$0x3FAF]  }
0x29: {  	s4 =	sld [smem:$0x3FB1]  }
0x2a: {  	p0 =	seq.s32 s5, $0x0;
	s5 =	sld [smem:$0x3FB2]  }
0x2b: {  	s6 =	sld [smem:$0x3FB3]  }
0x2c: {  	s7 =	sld [smem:$0x3FB4]  }
0x2d: {  	s3 =	simm.s32 $0x108;
	s8 =	sld [smem:$0x3FB5]  }
0x2e: {  	s3 =	simm.s32 @!p0 $0x1082;
	s9 =	sld [smem:$0x3FB6]  }
0x2f: {  	lr =	sadd.s32 s0, s3;
	s0 =	sld [smem:$0x3FAD]  }
0x30: {  	s3 =	sld [smem:$0x3FB0]  }
0x31: {  	[smem:$0x3FB9] =	sst s10  }
0x32: {  	s10 =	sld [smem:$0x3FB7];
	_ =	sdelay $0x3  }
0x33: {  	p0 =	seq.s32 s10, $0x1;
	s10 =	sld [smem:$0x3FB9];
	_ =	sdelay $0x3  }
0x34: {  	[smem:$0x3FB9] =	sst s10  }
0x35: {  	s10 =	sld [smem:$0x3FB8];
	_ =	sdelay $0x3  }
0x36: {  	p1 =	seq.s32 s10, $0x1;
	s10 =	sld [smem:$0x3FB9];
	_ =	sdelay $0x3  }
0x37: {  	[smem:$0x3FB9] =	sst s10  }
0x38: {  	s10 =	sld [smem:$0x3FBA]  }
0x39: {  	_ = 	snop;
	(pc) =	sbr.ind lr, $3  }
0x3a: {  	_ = 	snop  }
0x3b: {  	_ = 	snop  }
0x3c: {  	p2 =	seq.s32 s10, $0x1;
	s10 =	sld [smem:$0x3FB9]  }
0x3d: {  	_ =	shalt  }
0x3e: {  	_ =	shalt  }
0x3f: {  	_ =	shalt  }
0x40: {  	_ =	shalt  }
0x41: {  	_ =	shalt  }
0x42: {  	_ =	shalt  }
0x43: {  	_ =	shalt  }
0x44: {  	_ =	shalt  }
0x45: {  	_ =	shalt  }
0x46: {  	_ =	shalt  }
0x47: {  	_ =	shalt  }
0x48: {  	_ =	shalt  }
0x49: {  	_ =	shalt  }
0x4a: {  	_ =	shalt  }
0x4b: {  	_ =	shalt  }
0x4c: {  	_ =	shalt  }
0x4d: {  	_ =	shalt  }
0x4e: {  	_ =	shalt  }
0x4f: {  	_ =	shalt  }
0x50: {  	_ =	shalt  }
0x51: {  	_ =	shalt  }
0x52: {  	_ =	shalt  }
0x53: {  	_ =	shalt  }
0x54: {  	_ =	shalt  }
0x55: {  	_ =	shalt  }
0x56: {  	_ =	shalt  }
0x57: {  	_ =	shalt  }
0x58: {  	_ =	shalt  }
0x59: {  	_ =	shalt  }
0x5a: {  	_ =	shalt  }
0x5b: {  	_ =	shalt  }
0x5c: {  	_ =	shalt  }
0x5d: {  	_ =	shalt  }
0x5e: {  	_ =	shalt  }
0x5f: {  	_ =	shalt  }
0x60: {  	_ =	shalt  }
0x61: {  	_ =	shalt  }
0x62: {  	_ =	shalt  }
0x63: {  	_ =	shalt  }
0x64: {  	_ =	shalt  }
0x65: {  	_ =	shalt  }
0x66: {  	_ =	shalt  }
0x67: {  	_ =	shalt  }
0x68: {  	_ =	shalt  }
0x69: {  	_ =	shalt  }
0x6a: {  	_ =	shalt  }
0x6b: {  	_ =	shalt  }
0x6c: {  	_ =	shalt  }
0x6d: {  	_ =	shalt  }
0x6e: {  	_ =	shalt  }
0x6f: {  	_ =	shalt  }
0x70: {  	_ =	shalt  }
0x71: {  	_ =	shalt  }
0x72: {  	_ =	shalt  }
0x73: {  	_ =	shalt  }
0x74: {  	_ =	shalt  }
0x75: {  	_ =	shalt  }
0x76: {  	_ =	shalt  }
0x77: {  	_ =	shalt  }
0x78: {  	_ =	shalt  }
0x79: {  	_ =	shalt  }
0x7a: {  	_ =	shalt  }
0x7b: {  	_ =	shalt  }
0x7c: {  	_ =	shalt  }
0x7d: {  	_ =	shalt  }
0x7e: {  	_ =	shalt  }
0x7f: {  	_ =	shalt  }
0x80: {  	_ =	shalt  }
0x81: {  	_ =	shalt  }
0x82: {  	_ =	shalt  }
0x83: {  	_ =	shalt  }
0x84: {  	_ =	shalt  }
0x85: {  	_ =	shalt  }
0x86: {  	_ =	shalt  }
0x87: {  	_ =	shalt  }
.Lfunc_end0:
.L_simem_size_0:
called_computation.1_lowered:
.L_overlay_start_0:
0x88: {  	s2 =	sld [smem:$0x3FD9]  }
0x89: {  	s3 =	sld [smem:$0x3FFE];
	_ =	sdelay $0x1  }
0x8a: {  	s1 =	srdreg.scid  }
0x8b: {  	s0 =	sand.u32 $0x1, s1  }
0x8c: {  	s17 =	sshll.u32 s0, $0xA;
	s2 =	sadd.s32 s3, s2  }
0x8d: {  	s2 =	sadd.s32 s2, s17  }
0x8e: {  	[smem:$0x3FC5] =	sst s2  }
0x8f: {  	_ = 	snop  }
0x90: {  	s2 =	sld [smem:$0x3FD0];
	(tm) =	ssettm $0x1  }
0x91: {  	s18 =	sld [smem:$0x3FFB];
	_ =	sdelay $0x3  }
0x92: {  	_ =	strace s18  }
0x93: {  	s3 =	sld [smem:$0x3FFC];
	_ =	sdelay $0x3  }
0x94: {  	_ =	strace s3  }
0x95: {  	s3 =	sld [smem:$0x3FFD];
	_ =	sdelay $0x3  }
0x96: {  	_ =	strace s3  }
0x97: {  	_ =	strace $0x8FFFFFFF  }
0x98: {  	s19 =	sld [smem:$0x3FDB];
	_ =	sdelay $0x1  }
0x99: {  	s4 =	simm.s32 $_scs_section_size  }
0x9a: {  	s5 =	simm.s32 $_size__tile_overlayer_lowered;
	s6 =	simm.s32 $_tile_overlayer_lowered  }
0x9b: {  	s22 =	simm.s32 $0x1BFF;
	s21 =	sshll.u32 s6, $0x1;
	s3 =	sadd.s32 s4, s19  }
0x9c: {  	s7 =	simm.s32 $0x0;
	s20 =	sshll.u32 s5, $0x1;
	s5 =	sadd.s32 s21, s3  }
0x9d: {  	[timem:s7], [sflag:s22] =	dma.local [hbm:s5], s20  }
0x9e: {  	_ =	swait.ge [sflag:s22], s20  }
0x9f: {  	s4 =	ssub.s32 $0x0, s20;
	[sflag:s22] =	ssyncset.done $0x0  }
0xa0: {  	[sflag:s22] =	ssyncadd.s32 s4;
	_ =	sdelay $0x1  }
0xa1: {  	s23 =	simm.s32 $0x1B8B  }
0xa2: {  	_ =	swait.ge [sflag:s23], $0x1  }
0xa3: {  	[sflag:s23] =	ssyncset.done $0x0  }
0xa4: {  	s25 =	simm.s32 $0x1B8E;
	s24 =	sld [smem:$0x3FFE];
	[sflag:s23] =	ssyncadd.s32 $0xFFFFFFFF  }
0xa5: {  	s26 =	simm.s32 $execute0_lowered;
	[smem:$0x3FD2] =	sst s25  }
0xa6: {  	s5 =	sshll.u32 s26, $0x1;
	_ =	strace $0x80000046;
	[dreg:$0x1] =	wrdreg $0xFFFFFFFF  }
0xa7: {  	s28 =	simm.s32 $_size_execute0_lowered;
	s3 =	sadd.s32 s3, s5;
	[dreg:$0x0] =	wrdreg $0x0  }
0xa8: {  	s5 =	sshll.u32 s28, $0x1;
	[dreg:$0x2] =	wrdreg s3  }
0xa9: {  	[dreg:$0x3] =	wrdreg s5  }
0xaa: {  	[dreg:$0x4] =	wrdreg $0xC0  }
0xab: {  	_ =	task [dreg:s7], $0x5FFFF  }
0xac: {  	[dreg:$0x1] =	wrdreg $0xFFFFFFFF  }
0xad: {  	[dreg:$0x0] =	wrdreg $0x60  }
0xae: {  	[dreg:$0x2] =	wrdreg s24  }
0xaf: {  	[dreg:$0x3] =	wrdreg s2  }
0xb0: {  	[dreg:$0x4] =	wrdreg $0x9  }
0xb1: {  	_ =	task.clear_ibuf [dreg:s7], $0x5FFFF;
	_ =	strace $0x90000046  }
0xb2: {  	s29 =	simm.s32 $0x9;
	_ =	strace $0x80000048  }
0xb3: {  	_ =	swait.ge [sflag:s29], $0x1  }
0xb4: {  	[sflag:s29] =	ssyncadd.s32 $0xFFFFFFFF  }
0xb5: {  	_ =	strace $0x90000048  }
0xb6: {  	_ =	sfence  }
0xb7: {  	s30 =	sld [smem:$0x0];
	_ =	sdelay $0x2  }
0xb8: {  	s31 =	sshll.u32 s1, $0xD;
	s1 =	sshrl.u32 s1, $0x2  }
0xb9: {  	s3 =	sand.u32 $0x4000, s31;
	s1 =	sadd.s32 s1, s30  }
0xba: {  	s0 =	sor.u32 s3, s0;
	s1 =	sshll.u32 s1, $0x11  }
0xbb: {  	s0 =	sor.u32 s1, s0  }
0xbc: {  	s0 =	sadd.s32 $0x8F2B, s0  }
0xbd: {  	[sflag:s0] =	ssyncadd.remote.s32 $0x1  }
0xbe: {  	_ =	sfence.sel $0xFFFF  }
0xbf: {  	[dreg:$0x0] =	wrdreg $0xFFFFFFFF;
	(pc) =	sbr.abs _section_cstart, $3  }
0xc0: {  	[dreg:$0x1] =	wrdreg $0xFFFFFFFF  }
0xc1: {  	_ =	task.clear_ibuf [dreg:s7], $0x2FFFF;
	_ =	strace $0x9FFFFFFF  }
0xc2: {  	(tm) =	ssettm $0x7FFFFFFF  }
0xc3: {  	_ =	shalt  }
tec
execute0_lowered:
.L_overlay_start_1:
0x0: {  	(tag) =	ssettag $0x1  }
0x1: {  	s1 =	srdreg.scid;
	s3 =	stileid.u32  }
0x2: {  	s0 =	rddreg [dreg:$0x0];
	s1 =	sand.u32 $0x1, s1;
	s4 =	sshll.u32 s3, $0x1  }
0x3: {  	s2 =	rddreg [dreg:$0x1];
	s6 =	sor.u32 s1, s4  }
0x4: {  	s17 =	simm.s32 $0x1;
	s3 =	simm.s32 $0x0;
	s4 =	smul.u32 $0x1900, s6  }
0x5: {  	s18 =	simm.s32 $0x2;
	s5 =	sadd.s32 $0xF43000, s0;
	[smem:$0x7FF] =	sst s3  }
0x6: {  	s1 =	ssub.s32 $0x2, s1;
	_ =	strace $0x80000047;
	s7 =	sshrl.u32 s4, $0x3  }
0x7: {  	s30 =	sshrl.u32 s1, $0x1;
	s7 =	sadd.s32 s7, s0;
	s0 =	sadd.s32 $0x7000, s0  }
0x8: {  	[dreg:$0x3] =	wrdreg s0;
	s0 =	ssub.s32 s1, s30;
	s31 =	sadd.s32 $0xC00, s7  }
0x9: {  	s19 =	simm.s32 $0x80;
	[dreg:$0x4] =	wrdreg s31;
	s0 =	smax.u32 s0, $0x1  }
0xa: {  	s20 =	simm.s32 $0x0;
	s8 =	smul.u32 $0x64000, s6;
	[dreg:$0x5] =	wrdreg s0  }
.LBB2_1:
0xb: {  	s0 =	rddreg [dreg:$0x4];
	s1 =	simm.s32 $0x3  }
0xc: {  	[tilespmem:s3], [sflag:$0x3] =	stream.linear.gather [hbm4b:s0+s3], $0x1900, $0x38;
	[tilespmem:$0x18B00] =	vst v63  }
0xd: {  	_ =	swait.ge [sflag:s1], $0x1900  }
0xe: {  	[sflag:s1] =	ssyncset.done $0x0  }
0xf: {  	s6 =	simm.s32 $0x1900;
	s21 =	rddreg [dreg:$0x3];
	[sflag:s1] =	ssyncadd.s32 $0xFFFFE700  }
0x10: {  	[tilespmem:s6], [sflag:$0x3] =	stream.linear.gather [hbm4b:s21+s3], $0x3200, $0x38;
	[tilespmem:$0x18B00] =	vst v63  }
0x11: {  	_ =	swait.ge [sflag:s1], $0x3200  }
0x12: {  	[sflag:s1] =	ssyncset.done $0x0  }
0x13: {  	s22 =	simm.s32 $0x4B00;
	[sflag:s1] =	ssyncadd.s32 $0xFFFFCE00  }
0x14: {  	[tilespmem:s22], [sflag:$0x1] =	stream.indirect.gather [hbm4b:s5+s19], $0x40, s3, s19, $0xb8;
	[tilespmem:$0x18B00] =	vst v63  }
0x15: {  	s23 =	simm.s32 $0x6B00;
	s24 =	simm.s32 $0x8B00;
	s25 =	simm.s32 $0xAB00  }
0x16: {  	[tilespmem:s23], [sflag:$0x1] =	stream.indirect.gather [hbm4b:s5+s19], $0x40, s19, s19, $0xb8;
	[tilespmem:$0x18B00] =	vst v63  }
0x17: {  	s26 =	simm.s32 $0xCB00;
	s28 =	simm.s32 $0x7930;
	s21 =	simm.s32 $0x100  }
0x18: {  	[tilespmem:s24], [sflag:$0x1] =	stream.indirect.gather [hbm4b:s5+s19], $0x40, s21, s19, $0xb8;
	[tilespmem:$0x18B00] =	vst v63  }
0x19: {  	s29 =	simm.s32 $0x9930;
	s30 =	simm.s32 $0x80;
	s22 =	simm.s32 $0x180  }
0x1a: {  	[tilespmem:s25], [sflag:$0x1] =	stream.indirect.gather [hbm4b:s5+s19], $0x40, s22, s19, $0xb8;
	[tilespmem:$0x18B00] =	vst v63  }
0x1b: {  	s31 =	simm.s32 $0x0;
	s1 =	simm.s32 $0x0;
	s23 =	simm.s32 $0x200  }
0x1c: {  	[tilespmem:s26], [sflag:$0x1] =	stream.indirect.gather [hbm4b:s5+s19], $0x40, s23, s19, $0xb8;
	[tilespmem:$0x18B00] =	vst v63  }
0x1d: {  	s24 =	simm.s32 $0x1930;
	s25 =	simm.s32 $0x3930;
	s26 =	simm.s32 $0x5930  }
.LBB2_2:
0x1e: {  	p0 =	seq.s32 s1, $0x0  }
0x1f: {  	s0 =	simm.s32 @!p0 $0x2  }
0x20: {  	_ =	swait.ge @!p0 [sflag:s0], $0x2000  }
0x21: {  	[sflag:s0] =	ssyncset.done @!p0 $0x0  }
0x22: {  	[sflag:s0] =	ssyncadd.s32 @!p0 $0xFFFFE000  }
0x23: {  	_ =	swait.ge @!p0 [sflag:s0], $0x2000  }
0x24: {  	[sflag:s0] =	ssyncset.done @!p0 $0x0  }
0x25: {  	[sflag:s0] =	ssyncadd.s32 @!p0 $0xFFFFE000  }
0x26: {  	_ =	swait.ge @!p0 [sflag:s0], $0x2000  }
0x27: {  	[sflag:s0] =	ssyncset.done @!p0 $0x0  }
0x28: {  	p1 =	seq.s32 @!p0 s1, $0x9;
	[sflag:s0] =	ssyncadd.s32 @!p0 $0xFFFFE000  }
0x29: {  	p1 =	por p0, !p1;
	_ =	swait.ge @!p0 [sflag:s0], $0x2000  }
.Ltmp0:
0x2a: {  	[sflag:s0] =	ssyncset.done @!p0 $0x0;
	(pc) =	sbr.rel @!p1 .LBB2_4-.Ltmp0, $4  }
0x2b: {  	[sflag:s0] =	ssyncadd.s32 @!p0 $0xFFFFE000  }
0x2c: {  	_ =	swait.ge @!p0 [sflag:s0], $0x2000  }
0x2d: {  	[sflag:s0] =	ssyncset.done @!p0 $0x0  }
0x2e: {  	[sflag:s0] =	ssyncadd.s32 @!p0 $0xFFFFE000  }
0x2f: {  	s0 =	sadd.s32 $0x1, s1  }
0x30: {  	s6 =	sand.u32 $0x1, s0  }
0x31: {  	s0 =	smul.u32 $0xA00, s0;
	p0 =	seq.s32 s6, $0x1;
	s6 =	simm.s32 $0xA000  }
0x32: {  	s6 =	simm.s32 @!p0 $0x0  }
0x33: {  	s0 =	sshra.s32 s0, $0x2;
	s7 =	sor.u32 $0x4B00, s6  }
0x34: {  	[tilespmem:s7], [sflag:$0x1] =	stream.indirect.gather [hbm4b:s5+s19], $0x40, s0, s19, $0xb8;
	[tilespmem:$0x18B00] =	vst v63  }
0x35: {  	s12 =	sadd.s32 $0x6B00, s6;
	s9 =	sadd.s32 $0x80, s0  }
0x36: {  	[tilespmem:s12], [sflag:$0x1] =	stream.indirect.gather [hbm4b:s5+s19], $0x40, s9, s19, $0xb8;
	[tilespmem:$0x18B00] =	vst v63  }
0x37: {  	s13 =	sadd.s32 $0x8B00, s6;
	s14 =	sadd.s32 $0x100, s0  }
0x38: {  	[tilespmem:s13], [sflag:$0x1] =	stream.indirect.gather [hbm4b:s5+s19], $0x40, s14, s19, $0xb8;
	[tilespmem:$0x18B00] =	vst v63  }
0x39: {  	s15 =	sadd.s32 $0xAB00, s6;
	s16 =	sadd.s32 $0x180, s0  }
0x3a: {  	[tilespmem:s15], [sflag:$0x1] =	stream.indirect.gather [hbm4b:s5+s19], $0x40, s16, s19, $0xb8;
	[tilespmem:$0x18B00] =	vst v63  }
0x3b: {  	s6 =	sadd.s32 $0xCB00, s6;
	s0 =	sadd.s32 $0x200, s0  }
0x3c: {  	[tilespmem:s6], [sflag:$0x1] =	stream.indirect.gather [hbm4b:s5+s19], $0x40, s0, s19, $0xb8;
	[tilespmem:$0x18B00] =	vst v63  }
.LBB2_4:
0x3d: {  	_ =	swait.ge [sflag:s17], $0x2000  }
0x3e: {  	[sflag:s17] =	ssyncset.done $0x0  }
0x3f: {  	[sflag:s17] =	ssyncadd.s32 $0xFFFFE000  }
0x40: {  	_ =	swait.ge [sflag:s17], $0x2000  }
0x41: {  	[sflag:s17] =	ssyncset.done $0x0  }
0x42: {  	[sflag:s17] =	ssyncadd.s32 $0xFFFFE000  }
0x43: {  	_ =	swait.ge [sflag:s17], $0x2000  }
0x44: {  	s0 =	smulhi.u32 $0x51EB851F, s31;
	[sflag:s17] =	ssyncset.done $0x0  }
0x45: {  	[sflag:s17] =	ssyncadd.s32 $0xFFFFE000  }
0x46: {  	s0 =	sshrl.u32 s0, $0x6;
	_ =	swait.ge [sflag:s17], $0x2000  }
0x47: {  	s0 =	smul.u32 $0xFFFF3800, s0;
	[sflag:s17] =	ssyncset.done $0x0  }
0x48: {  	[sflag:s17] =	ssyncadd.s32 $0xFFFFE000  }
0x49: {  	s0 =	sshra.s32 s0, $0x2;
	_ =	swait.ge [sflag:s17], $0x2000  }
0x4a: {  	s0 =	sadd.s32 s0, s24;
	[sflag:s17] =	ssyncset.done $0x0  }
0x4b: {  	s15 =	sadd.s32 $0x0, s0;
	[sflag:s17] =	ssyncadd.s32 $0xFFFFE000  }
0x4c: {  	s16 =	sand.u32 $0x1, s1;
	v0 =	vld [tilespmem:s15+$0xFFFFFFD0]  }
0x4d: {  	s11 =	simm.s32 $0xA000;
	p0 =	seq.s32 s16, $0x1  }
0x4e: {  	s11 =	simm.s32 @!p0 $0x0  }
0x4f: {  	s0 =	sor.u32 $0x4B00, s11  }
0x50: {  	s13 =	sadd.s32 $0x0, s0  }
0x51: {  	[tilespmem:s13+$0x0] =	vst.add.f32.msk $0xffff, v0  }
0x52: {  	v0 =	vld [tilespmem:s15+$0xFFFFFFE0];
	_ =	sdelay $0x4  }
0x53: {  	[tilespmem:s13+$0x10] =	vst.add.f32.msk $0xffff, v0  }
0x54: {  	v0 =	vld [tilespmem:s15+$0xFFFFFFF0];
	_ =	sdelay $0x2  }
0x55: {  	s12 =	smul.u32 $0x280, s1;
	s6 =	sadd.s32 $0x1, s31  }
0x56: {  	s14 =	simm.s32 $0x100;
	s7 =	simm.s32 $0x200;
	s9 =	smulhi.u32 $0x51EB851F, s6  }
.LBB2_5:
0x57: {  	p0 =	sne.s32 s7, $0x7F00;
	[tilespmem:s13+$0x20] =	vst.add.f32.msk $0xffff, v0  }
0x58: {  	s9 =	sshrl.u32 s9, $0x6;
	v0 =	vld [tilespmem:s15+$0x0]  }
0x59: {  	s9 =	smul.u32 $0xFFFF3800, s9;
	_ =	sdelay $0x1  }
0x5a: {  	s9 =	sshra.s32 s9, $0x2  }
0x5b: {  	s10 =	sshra.s32 s14, $0x2;
	s14 =	smov.u32 s7;
	s9 =	sadd.s32 s9, s24  }
0x5c: {  	s15 =	sadd.s32 s10, s9;
	[tilespmem:s13+$0x30] =	vst.add.f32.msk $0xffff, v0  }
0x5d: {  	v0 =	vld [tilespmem:s15+$0xFFFFFFD0];
	_ =	sdelay $0x3  }
0x5e: {  	s13 =	sadd.s32 s10, s0  }
0x5f: {  	[tilespmem:s13+$0x0] =	vst.add.f32.msk $0xffff, v0  }
0x60: {  	v0 =	vld [tilespmem:s15+$0xFFFFFFE0];
	_ =	sdelay $0x4  }
0x61: {  	[tilespmem:s13+$0x10] =	vst.add.f32.msk $0xffff, v0  }
.Ltmp1:
0x62: {  	v0 =	vld [tilespmem:s15+$0xFFFFFFF0];
	(pc) =	sbr.rel @p0 .LBB2_5-.Ltmp1, $3  }
0x63: {  	_ =	sdelay $0x1  }
0x64: {  	s6 =	sadd.s32 $0x1, s6  }
0x65: {  	s7 =	sadd.s32 $0x100, s7;
	s9 =	smulhi.u32 $0x51EB851F, s6  }
0x66: {  	[tilespmem:s13+$0x20] =	vst.add.f32.msk $0xffff, v0  }
0x67: {  	s6 =	sshrl.u32 s9, $0x6;
	v0 =	vld [tilespmem:s15+$0x0]  }
0x68: {  	s6 =	smul.u32 $0xFFFF3800, s6;
	_ =	sdelay $0x1  }
0x69: {  	s6 =	sshra.s32 s6, $0x2  }
0x6a: {  	s7 =	sshra.s32 s14, $0x2;
	s6 =	sadd.s32 s6, s24  }
0x6b: {  	s6 =	sadd.s32 s7, s6;
	[tilespmem:s13+$0x30] =	vst.add.f32.msk $0xffff, v0  }
0x6c: {  	v0 =	vld [tilespmem:s6+$0xFFFFFFD0];
	_ =	sdelay $0x3  }
0x6d: {  	s7 =	sadd.s32 s7, s0  }
0x6e: {  	[tilespmem:s7+$0x0] =	vst.add.f32.msk $0xffff, v0  }
0x6f: {  	v0 =	vld [tilespmem:s6+$0xFFFFFFE0];
	_ =	sdelay $0x4  }
0x70: {  	[tilespmem:s7+$0x10] =	vst.add.f32.msk $0xffff, v0  }
0x71: {  	v0 =	vld [tilespmem:s6+$0xFFFFFFF0];
	_ =	sdelay $0x3  }
0x72: {  	s13 =	smulhi.u32 $0x51EB851F, s30  }
0x73: {  	[tilespmem:s7+$0x20] =	vst.add.f32.msk $0xffff, v0  }
0x74: {  	v0 =	vld [tilespmem:s6+$0x0];
	s6 =	sshrl.u32 s13, $0x6  }
0x75: {  	s6 =	smul.u32 $0xFFFF3800, s6;
	_ =	sdelay $0x1  }
0x76: {  	s14 =	sadd.s32 s4, s12;
	s6 =	sshra.s32 s6, $0x2  }
0x77: {  	s9 =	sshll.u32 s14, $0x3;
	s6 =	sadd.s32 s6, s25  }
0x78: {  	s16 =	simm.s32 $0x0;
	s15 =	sadd.s32 s2, s9;
	[tilespmem:s7+$0x30] =	vst.add.f32.msk $0xffff, v0;
	s6 =	sadd.s32 $0x0, s6  }
0x79: {  	[hbm4b:s15+s16] =	stream.linear.scatter [tilespmem:s0], [sflag:$0x2], $0x2000, $0x38;
	[tilespmem:$0x18B00] =	vst v63  }
0x7a: {  	v0 =	vld [tilespmem:s6+$0xFFFFFFD0];
	_ =	sdelay $0x3  }
0x7b: {  	s15 =	sadd.s32 $0x0, s0  }
0x7c: {  	[tilespmem:s15+$0x2000] =	vst.add.f32.msk $0xffff, v0  }
0x7d: {  	v0 =	vld [tilespmem:s6+$0xFFFFFFE0];
	_ =	sdelay $0x4  }
0x7e: {  	[tilespmem:s15+$0x2010] =	vst.add.f32.msk $0xffff, v0  }
0x7f: {  	v0 =	vld [tilespmem:s6+$0xFFFFFFF0]  }
0x80: {  	s12 =	smul.u32 $0x5, s1;
	_ =	sdelay $0x1  }
0x81: {  	s14 =	sadd.s32 $0x1, s12;
	s9 =	simm.s32 $0x200;
	s7 =	sadd.s32 $0x1, s30  }
0x82: {  	s13 =	sadd.s32 $0x6B00, s11;
	s16 =	simm.s32 $0x100;
	s10 =	smulhi.u32 $0x51EB851F, s7  }
.LBB2_7:
0x83: {  	p0 =	sne.s32 s9, $0x7F00;
	[tilespmem:s15+$0x2020] =	vst.add.f32.msk $0xffff, v0  }
0x84: {  	s10 =	sshrl.u32 s10, $0x6;
	v0 =	vld [tilespmem:s6+$0x0]  }
0x85: {  	s6 =	smul.u32 $0xFFFF3800, s10;
	_ =	sdelay $0x1  }
0x86: {  	s6 =	sshra.s32 s6, $0x2  }
0x87: {  	s10 =	sshra.s32 s16, $0x2;
	s16 =	smov.u32 s9;
	s6 =	sadd.s32 s6, s25  }
0x88: {  	s6 =	sadd.s32 s10, s6;
	[tilespmem:s15+$0x2030] =	vst.add.f32.msk $0xffff, v0  }
0x89: {  	v0 =	vld [tilespmem:s6+$0xFFFFFFD0];
	_ =	sdelay $0x3  }
0x8a: {  	s15 =	sadd.s32 s10, s0  }
0x8b: {  	[tilespmem:s15+$0x2000] =	vst.add.f32.msk $0xffff, v0  }
0x8c: {  	v0 =	vld [tilespmem:s6+$0xFFFFFFE0];
	_ =	sdelay $0x4  }
0x8d: {  	[tilespmem:s15+$0x2010] =	vst.add.f32.msk $0xffff, v0  }
.Ltmp2:
0x8e: {  	v0 =	vld [tilespmem:s6+$0xFFFFFFF0];
	(pc) =	sbr.rel @p0 .LBB2_7-.Ltmp2, $3  }
0x8f: {  	_ =	sdelay $0x1  }
0x90: {  	s7 =	sadd.s32 $0x1, s7  }
0x91: {  	s9 =	sadd.s32 $0x100, s9;
	s10 =	smulhi.u32 $0x51EB851F, s7  }
0x92: {  	[tilespmem:s15+$0x2020] =	vst.add.f32.msk $0xffff, v0  }
0x93: {  	s7 =	sshrl.u32 s10, $0x6;
	v0 =	vld [tilespmem:s6+$0x0]  }
0x94: {  	s9 =	smul.u32 $0xFFFF3800, s7;
	_ =	sdelay $0x1  }
0x95: {  	s6 =	sshra.s32 s9, $0x2  }
0x96: {  	s10 =	sshra.s32 s16, $0x2;
	s6 =	sadd.s32 s6, s25  }
0x97: {  	s6 =	sadd.s32 s10, s6;
	[tilespmem:s15+$0x2030] =	vst.add.f32.msk $0xffff, v0  }
0x98: {  	v0 =	vld [tilespmem:s6+$0xFFFFFFD0];
	_ =	sdelay $0x3  }
0x99: {  	s7 =	sadd.s32 s10, s0  }
0x9a: {  	[tilespmem:s7+$0x2000] =	vst.add.f32.msk $0xffff, v0  }
0x9b: {  	v0 =	vld [tilespmem:s6+$0xFFFFFFE0];
	_ =	sdelay $0x4  }
0x9c: {  	[tilespmem:s7+$0x2010] =	vst.add.f32.msk $0xffff, v0  }
0x9d: {  	v0 =	vld [tilespmem:s6+$0xFFFFFFF0];
	_ =	sdelay $0x4  }
0x9e: {  	[tilespmem:s7+$0x2020] =	vst.add.f32.msk $0xffff, v0  }
0x9f: {  	s9 =	smulhi.u32 $0x51EB851F, s21;
	v0 =	vld [tilespmem:s6+$0x0];
	_ =	sdelay $0x1  }
0xa0: {  	s14 =	sshll.u32 s14, $0xD;
	s9 =	sshrl.u32 s9, $0x6  }
0xa1: {  	s9 =	smul.u32 $0xFFFF3800, s9;
	s6 =	sadd.s32 s8, s14  }
0xa2: {  	s6 =	sshrl.u32 s6, $0x3  }
0xa3: {  	s15 =	simm.s32 $0x0;
	s16 =	sshra.s32 s9, $0x2;
	s6 =	sadd.s32 s2, s6;
	[tilespmem:s7+$0x2030] =	vst.add.f32.msk $0xffff, v0  }
0xa4: {  	[hbm4b:s6+s15] =	stream.linear.scatter [tilespmem:s13], [sflag:$0x2], $0x2000, $0x38;
	[tilespmem:$0x18B00] =	vst v63  }
0xa5: {  	s6 =	sadd.s32 s16, s26  }
0xa6: {  	s6 =	sadd.s32 $0x0, s6  }
0xa7: {  	v0 =	vld [tilespmem:s6+$0xFFFFFFD0];
	_ =	sdelay $0x3  }
0xa8: {  	s15 =	sadd.s32 $0x0, s0  }
0xa9: {  	[tilespmem:s15+$0x4000] =	vst.add.f32.msk $0xffff, v0  }
0xaa: {  	v0 =	vld [tilespmem:s6+$0xFFFFFFE0];
	_ =	sdelay $0x4  }
0xab: {  	[tilespmem:s15+$0x4010] =	vst.add.f32.msk $0xffff, v0  }
0xac: {  	v0 =	vld [tilespmem:s6+$0xFFFFFFF0];
	_ =	sdelay $0x2  }
0xad: {  	s9 =	simm.s32 $0x200;
	s14 =	sadd.s32 $0x2, s12;
	s7 =	sadd.s32 $0x1, s21  }
0xae: {  	s13 =	sadd.s32 $0x8B00, s11;
	s16 =	simm.s32 $0x100;
	s10 =	smulhi.u32 $0x51EB851F, s7  }
.LBB2_9:
0xaf: {  	p0 =	sne.s32 s9, $0x7F00;
	[tilespmem:s15+$0x4020] =	vst.add.f32.msk $0xffff, v0  }
0xb0: {  	s10 =	sshrl.u32 s10, $0x6;
	v0 =	vld [tilespmem:s6+$0x0]  }
0xb1: {  	s6 =	smul.u32 $0xFFFF3800, s10;
	_ =	sdelay $0x1  }
0xb2: {  	s6 =	sshra.s32 s6, $0x2  }
0xb3: {  	s10 =	sshra.s32 s16, $0x2;
	s16 =	smov.u32 s9;
	s6 =	sadd.s32 s6, s26  }
0xb4: {  	s6 =	sadd.s32 s10, s6;
	[tilespmem:s15+$0x4030] =	vst.add.f32.msk $0xffff, v0  }
0xb5: {  	v0 =	vld [tilespmem:s6+$0xFFFFFFD0];
	_ =	sdelay $0x3  }
0xb6: {  	s15 =	sadd.s32 s10, s0  }
0xb7: {  	[tilespmem:s15+$0x4000] =	vst.add.f32.msk $0xffff, v0  }
0xb8: {  	v0 =	vld [tilespmem:s6+$0xFFFFFFE0];
	_ =	sdelay $0x4  }
0xb9: {  	[tilespmem:s15+$0x4010] =	vst.add.f32.msk $0xffff, v0  }
.Ltmp3:
0xba: {  	v0 =	vld [tilespmem:s6+$0xFFFFFFF0];
	(pc) =	sbr.rel @p0 .LBB2_9-.Ltmp3, $3  }
0xbb: {  	_ =	sdelay $0x1  }
0xbc: {  	s7 =	sadd.s32 $0x1, s7  }
0xbd: {  	s9 =	sadd.s32 $0x100, s9;
	s10 =	smulhi.u32 $0x51EB851F, s7  }
0xbe: {  	[tilespmem:s15+$0x4020] =	vst.add.f32.msk $0xffff, v0  }
0xbf: {  	s7 =	sshrl.u32 s10, $0x6;
	v0 =	vld [tilespmem:s6+$0x0]  }
0xc0: {  	s9 =	smul.u32 $0xFFFF3800, s7;
	_ =	sdelay $0x1  }
0xc1: {  	s6 =	sshra.s32 s9, $0x2  }
0xc2: {  	s10 =	sshra.s32 s16, $0x2;
	s6 =	sadd.s32 s6, s26  }
0xc3: {  	s6 =	sadd.s32 s10, s6;
	[tilespmem:s15+$0x4030] =	vst.add.f32.msk $0xffff, v0  }
0xc4: {  	v0 =	vld [tilespmem:s6+$0xFFFFFFD0];
	_ =	sdelay $0x3  }
0xc5: {  	s7 =	sadd.s32 s10, s0  }
0xc6: {  	[tilespmem:s7+$0x4000] =	vst.add.f32.msk $0xffff, v0  }
0xc7: {  	v0 =	vld [tilespmem:s6+$0xFFFFFFE0];
	_ =	sdelay $0x4  }
0xc8: {  	[tilespmem:s7+$0x4010] =	vst.add.f32.msk $0xffff, v0  }
0xc9: {  	v0 =	vld [tilespmem:s6+$0xFFFFFFF0];
	_ =	sdelay $0x4  }
0xca: {  	[tilespmem:s7+$0x4020] =	vst.add.f32.msk $0xffff, v0  }
0xcb: {  	s9 =	smulhi.u32 $0x51EB851F, s22;
	v0 =	vld [tilespmem:s6+$0x0];
	_ =	sdelay $0x1  }
0xcc: {  	s14 =	sshll.u32 s14, $0xD;
	s9 =	sshrl.u32 s9, $0x6  }
0xcd: {  	s9 =	smul.u32 $0xFFFF3800, s9;
	s6 =	sadd.s32 s8, s14  }
0xce: {  	s6 =	sshrl.u32 s6, $0x3  }
0xcf: {  	s15 =	simm.s32 $0x0;
	s16 =	sshra.s32 s9, $0x2;
	s6 =	sadd.s32 s2, s6;
	[tilespmem:s7+$0x4030] =	vst.add.f32.msk $0xffff, v0  }
0xd0: {  	[hbm4b:s6+s15] =	stream.linear.scatter [tilespmem:s13], [sflag:$0x2], $0x2000, $0x38;
	[tilespmem:$0x18B00] =	vst v63  }
0xd1: {  	s6 =	sadd.s32 s16, s28  }
0xd2: {  	s6 =	sadd.s32 $0x0, s6  }
0xd3: {  	v0 =	vld [tilespmem:s6+$0xFFFFFFD0];
	_ =	sdelay $0x3  }
0xd4: {  	s15 =	sadd.s32 $0x0, s0  }
0xd5: {  	[tilespmem:s15+$0x6000] =	vst.add.f32.msk $0xffff, v0  }
0xd6: {  	v0 =	vld [tilespmem:s6+$0xFFFFFFE0];
	_ =	sdelay $0x4  }
0xd7: {  	[tilespmem:s15+$0x6010] =	vst.add.f32.msk $0xffff, v0  }
0xd8: {  	v0 =	vld [tilespmem:s6+$0xFFFFFFF0];
	_ =	sdelay $0x2  }
0xd9: {  	s9 =	simm.s32 $0x200;
	s14 =	sadd.s32 $0x3, s12;
	s7 =	sadd.s32 $0x1, s22  }
0xda: {  	s13 =	sadd.s32 $0xAB00, s11;
	s16 =	simm.s32 $0x100;
	s10 =	smulhi.u32 $0x51EB851F, s7  }
.LBB2_11:
0xdb: {  	p0 =	sne.s32 s9, $0x7F00;
	[tilespmem:s15+$0x6020] =	vst.add.f32.msk $0xffff, v0  }
0xdc: {  	s10 =	sshrl.u32 s10, $0x6;
	v0 =	vld [tilespmem:s6+$0x0]  }
0xdd: {  	s6 =	smul.u32 $0xFFFF3800, s10;
	_ =	sdelay $0x1  }
0xde: {  	s6 =	sshra.s32 s6, $0x2  }
0xdf: {  	s10 =	sshra.s32 s16, $0x2;
	s16 =	smov.u32 s9;
	s6 =	sadd.s32 s6, s28  }
0xe0: {  	s6 =	sadd.s32 s10, s6;
	[tilespmem:s15+$0x6030] =	vst.add.f32.msk $0xffff, v0  }
0xe1: {  	v0 =	vld [tilespmem:s6+$0xFFFFFFD0];
	_ =	sdelay $0x3  }
0xe2: {  	s15 =	sadd.s32 s10, s0  }
0xe3: {  	[tilespmem:s15+$0x6000] =	vst.add.f32.msk $0xffff, v0  }
0xe4: {  	v0 =	vld [tilespmem:s6+$0xFFFFFFE0];
	_ =	sdelay $0x4  }
0xe5: {  	[tilespmem:s15+$0x6010] =	vst.add.f32.msk $0xffff, v0  }
.Ltmp4:
0xe6: {  	v0 =	vld [tilespmem:s6+$0xFFFFFFF0];
	(pc) =	sbr.rel @p0 .LBB2_11-.Ltmp4, $3  }
0xe7: {  	_ =	sdelay $0x1  }
0xe8: {  	s7 =	sadd.s32 $0x1, s7  }
0xe9: {  	s9 =	sadd.s32 $0x100, s9;
	s10 =	smulhi.u32 $0x51EB851F, s7  }
0xea: {  	[tilespmem:s15+$0x6020] =	vst.add.f32.msk $0xffff, v0  }
0xeb: {  	s7 =	sshrl.u32 s10, $0x6;
	v0 =	vld [tilespmem:s6+$0x0]  }
0xec: {  	s9 =	smul.u32 $0xFFFF3800, s7;
	_ =	sdelay $0x1  }
0xed: {  	s6 =	sshra.s32 s9, $0x2  }
0xee: {  	s10 =	sshra.s32 s16, $0x2;
	s6 =	sadd.s32 s6, s28  }
0xef: {  	s6 =	sadd.s32 s10, s6;
	[tilespmem:s15+$0x6030] =	vst.add.f32.msk $0xffff, v0  }
0xf0: {  	v0 =	vld [tilespmem:s6+$0xFFFFFFD0];
	_ =	sdelay $0x3  }
0xf1: {  	s7 =	sadd.s32 s10, s0  }
0xf2: {  	[tilespmem:s7+$0x6000] =	vst.add.f32.msk $0xffff, v0  }
0xf3: {  	v0 =	vld [tilespmem:s6+$0xFFFFFFE0];
	_ =	sdelay $0x4  }
0xf4: {  	[tilespmem:s7+$0x6010] =	vst.add.f32.msk $0xffff, v0  }
0xf5: {  	v0 =	vld [tilespmem:s6+$0xFFFFFFF0];
	_ =	sdelay $0x4  }
0xf6: {  	[tilespmem:s7+$0x6020] =	vst.add.f32.msk $0xffff, v0  }
0xf7: {  	s9 =	smulhi.u32 $0x51EB851F, s23;
	v0 =	vld [tilespmem:s6+$0x0];
	_ =	sdelay $0x1  }
0xf8: {  	s14 =	sshll.u32 s14, $0xD;
	s9 =	sshrl.u32 s9, $0x6  }
0xf9: {  	s9 =	smul.u32 $0xFFFF3800, s9;
	s6 =	sadd.s32 s8, s14  }
0xfa: {  	s6 =	sshrl.u32 s6, $0x3  }
0xfb: {  	s15 =	simm.s32 $0x0;
	s16 =	sshra.s32 s9, $0x2;
	s6 =	sadd.s32 s2, s6;
	[tilespmem:s7+$0x6030] =	vst.add.f32.msk $0xffff, v0  }
0xfc: {  	[hbm4b:s6+s15] =	stream.linear.scatter [tilespmem:s13], [sflag:$0x2], $0x2000, $0x38;
	[tilespmem:$0x18B00] =	vst v63  }
0xfd: {  	s6 =	sadd.s32 s16, s29  }
0xfe: {  	s6 =	sadd.s32 $0x0, s6  }
0xff: {  	v0 =	vld [tilespmem:s6+$0xFFFFFFD0];
	_ =	sdelay $0x3  }
0x100: {  	s13 =	sadd.s32 $0x0, s0  }
0x101: {  	[tilespmem:s13+$0x8000] =	vst.add.f32.msk $0xffff, v0  }
0x102: {  	v0 =	vld [tilespmem:s6+$0xFFFFFFE0];
	_ =	sdelay $0x4  }
0x103: {  	[tilespmem:s13+$0x8010] =	vst.add.f32.msk $0xffff, v0  }
0x104: {  	v0 =	vld [tilespmem:s6+$0xFFFFFFF0];
	_ =	sdelay $0x2  }
0x105: {  	s12 =	sadd.s32 $0x4, s12;
	s11 =	sadd.s32 $0xCB00, s11;
	s7 =	sadd.s32 $0x1, s23  }
0x106: {  	s9 =	simm.s32 $0x200;
	s14 =	simm.s32 $0x100;
	s10 =	smulhi.u32 $0x51EB851F, s7  }
.LBB2_13:
0x107: {  	p0 =	sne.s32 s9, $0x7F00;
	[tilespmem:s13+$0x8020] =	vst.add.f32.msk $0xffff, v0  }
0x108: {  	s10 =	sshrl.u32 s10, $0x6;
	v0 =	vld [tilespmem:s6+$0x0]  }
0x109: {  	s6 =	smul.u32 $0xFFFF3800, s10;
	_ =	sdelay $0x1  }
0x10a: {  	s6 =	sshra.s32 s6, $0x2  }
0x10b: {  	s10 =	sshra.s32 s14, $0x2;
	s14 =	smov.u32 s9;
	s6 =	sadd.s32 s6, s29  }
0x10c: {  	s6 =	sadd.s32 s10, s6;
	[tilespmem:s13+$0x8030] =	vst.add.f32.msk $0xffff, v0  }
0x10d: {  	v0 =	vld [tilespmem:s6+$0xFFFFFFD0];
	_ =	sdelay $0x3  }
0x10e: {  	s13 =	sadd.s32 s10, s0  }
0x10f: {  	[tilespmem:s13+$0x8000] =	vst.add.f32.msk $0xffff, v0  }
0x110: {  	v0 =	vld [tilespmem:s6+$0xFFFFFFE0];
	_ =	sdelay $0x4  }
0x111: {  	[tilespmem:s13+$0x8010] =	vst.add.f32.msk $0xffff, v0  }
.Ltmp5:
0x112: {  	v0 =	vld [tilespmem:s6+$0xFFFFFFF0];
	(pc) =	sbr.rel @p0 .LBB2_13-.Ltmp5, $3  }
0x113: {  	_ =	sdelay $0x1  }
0x114: {  	s7 =	sadd.s32 $0x1, s7  }
0x115: {  	s9 =	sadd.s32 $0x100, s9;
	s10 =	smulhi.u32 $0x51EB851F, s7  }
0x116: {  	[tilespmem:s13+$0x8020] =	vst.add.f32.msk $0xffff, v0  }
0x117: {  	s7 =	sshrl.u32 s10, $0x6;
	v0 =	vld [tilespmem:s6+$0x0]  }
0x118: {  	s10 =	smul.u32 $0xFFFF3800, s7;
	_ =	sdelay $0x1  }
0x119: {  	s6 =	sshra.s32 s10, $0x2  }
0x11a: {  	s14 =	sshra.s32 s14, $0x2;
	s6 =	sadd.s32 s6, s29  }
0x11b: {  	s6 =	sadd.s32 s14, s6;
	[tilespmem:s13+$0x8030] =	vst.add.f32.msk $0xffff, v0  }
0x11c: {  	v0 =	vld [tilespmem:s6+$0xFFFFFFD0];
	_ =	sdelay $0x3  }
0x11d: {  	s0 =	sadd.s32 s14, s0  }
0x11e: {  	[tilespmem:s0+$0x8000] =	vst.add.f32.msk $0xffff, v0  }
0x11f: {  	v0 =	vld [tilespmem:s6+$0xFFFFFFE0];
	_ =	sdelay $0x4  }
0x120: {  	[tilespmem:s0+$0x8010] =	vst.add.f32.msk $0xffff, v0  }
0x121: {  	v0 =	vld [tilespmem:s6+$0xFFFFFFF0];
	_ =	sdelay $0x4  }
0x122: {  	[tilespmem:s0+$0x8020] =	vst.add.f32.msk $0xffff, v0  }
0x123: {  	s15 =	sshll.u32 s12, $0xD;
	s1 =	sadd.s32 $0x1, s1;
	v0 =	vld [tilespmem:s6+$0x0]  }
0x124: {  	s24 =	sadd.s32 $0xA000, s24;
	s31 =	sadd.s32 $0x280, s31;
	p0 =	sne.s32 s1, $0xA  }
.Ltmp6:
0x125: {  	s25 =	sadd.s32 $0xA000, s25;
	s30 =	sadd.s32 $0x280, s30;
	(pc) =	sbr.rel @p0 .LBB2_2-.Ltmp6, $4  }
0x126: {  	s26 =	sadd.s32 $0xA000, s26;
	s21 =	sadd.s32 $0x280, s21;
	s6 =	sadd.s32 s8, s15  }
0x127: {  	s28 =	sadd.s32 $0xA000, s28;
	s22 =	sadd.s32 $0x280, s22;
	s6 =	sshrl.u32 s6, $0x3  }
0x128: {  	s23 =	sadd.s32 $0x280, s23;
	s29 =	sadd.s32 $0xA000, s29;
	s16 =	sadd.s32 s2, s6;
	[tilespmem:s0+$0x8030] =	vst.add.f32.msk $0xffff, v0  }
0x129: {  	[hbm4b:s16+s3] =	stream.linear.scatter [tilespmem:s11], [sflag:$0x2], $0x2000, $0x38;
	[tilespmem:$0x18B00] =	vst v63  }
0x12a: {  	_ =	swait.ge [sflag:s18], $0x2000  }
0x12b: {  	[sflag:s18] =	ssyncset.done $0x0  }
0x12c: {  	[sflag:s18] =	ssyncadd.s32 $0xFFFFE000  }
0x12d: {  	_ =	swait.ge [sflag:s18], $0x2000  }
0x12e: {  	[sflag:s18] =	ssyncset.done $0x0  }
0x12f: {  	[sflag:s18] =	ssyncadd.s32 $0xFFFFE000  }
0x130: {  	_ =	swait.ge [sflag:s18], $0x2000  }
0x131: {  	[sflag:s18] =	ssyncset.done $0x0  }
0x132: {  	[sflag:s18] =	ssyncadd.s32 $0xFFFFE000  }
0x133: {  	_ =	swait.ge [sflag:s18], $0x2000  }
0x134: {  	[sflag:s18] =	ssyncset.done $0x0  }
0x135: {  	[sflag:s18] =	ssyncadd.s32 $0xFFFFE000  }
0x136: {  	_ =	swait.ge [sflag:s18], $0x2000  }
0x137: {  	s20 =	sadd.s32 $0x1, s20;
	s0 =	rddreg [dreg:$0x5]  }
0x138: {  	p0 =	sne.s32 s20, s0  }
.Ltmp7:
0x139: {  	_ = 	snop;
	(pc) =	sbr.rel @p0 .LBB2_1-.Ltmp7, $3  }
0x13a: {  	_ =	sdelay $0x1  }
0x13b: {  	[sflag:s18] =	ssyncset.done $0x0  }
0x13c: {  	[sflag:s18] =	ssyncadd.s32 $0xFFFFE000  }
0x13d: {  	_ =	sfence.sel $0x180000  }
0x13e: {  	[bflag:$0x0] =	sbarrier.arrive $0xFFFF  }
0x13f: {  	_ =	strace $0x90000047  }
0x140: {  	s0 =	stileid.u32;
	[bflag:$0x2] =	sbarrier.arrive $0xFFFF  }
0x141: {  	p0 =	sne.s32 s0, $0x0;
	s0 =	rddreg [dreg:$0x2]  }
0x142: {  	s0 =	sadd.s32 @!p0 $0x100000, s0  }
0x143: {  	[sflag:s0] =	ssyncadd.tile.s32 @!p0 $0x1;
	_ =	shalt  }
.Lfunc_end2:
_tile_overlayer_lowered:
.L_overlay_start_2:
0x144: {  	(tag) =	ssettag $0x2  }
0x145: {  	s0 =	rddreg [dreg:$0x0];
	s2 =	stileid.u32  }
0x146: {  	s1 =	rddreg [dreg:$0x1];
	p0 =	sne.s32 s2, $0x0  }
0x147: {  	s3 =	rddreg [dreg:$0x2];
	[bflag:$0x3] =	sbarrier.arrive $0xFFFF;
	s2 =	simm.s32 @!p0 $0x1C03  }
0x148: {  	[timem:s3], [sflag:s2] =	dma.local @!p0 [hbm:s0], s1  }
0x149: {  	s0 =	simm.s32 @!p0 $0x3  }
0x14a: {  	_ =	swait.ge @!p0 [sflag:s0], s1  }
0x14b: {  	s1 =	ssub.s32 @!p0 $0x0, s1;
	[sflag:s0] =	ssyncset.done @!p0 $0x0  }
0x14c: {  	[sflag:s0] =	ssyncadd.s32 @!p0 s1  }
0x14d: {  	[bflag:$0x3] =	sbarrier.arrive $0xFFFF  }
0x14e: {  	_ =	shalt  }

// kernel: sparse-core-data-format-call.cloned.1.call-start
scs
called_computation_lowered:
.L_overlay_start_0:
0x0: {  	s2 =	sld [smem:$0x3FD9]  }
0x1: {  	s3 =	sld [smem:$0x3FFE];
	_ =	sdelay $0x1  }
0x2: {  	s1 =	srdreg.scid  }
0x3: {  	s0 =	sand.u32 $0x1, s1  }
0x4: {  	s18 =	sshll.u32 s0, $0xA;
	s2 =	sadd.s32 s3, s2  }
0x5: {  	s2 =	sadd.s32 s2, s18  }
0x6: {  	[smem:$0x3FC5] =	sst s2  }
0x7: {  	_ = 	snop  }
0x8: {  	s2 =	sld [smem:$0x3FD0];
	(tm) =	ssettm $0x1  }
0x9: {  	s19 =	sld [smem:$0x3FFB];
	_ =	sdelay $0x3  }
0xa: {  	_ =	strace s19  }
0xb: {  	s3 =	sld [smem:$0x3FFC];
	_ =	sdelay $0x3  }
0xc: {  	_ =	strace s3  }
0xd: {  	s3 =	sld [smem:$0x3FFD];
	_ =	sdelay $0x3  }
0xe: {  	_ =	strace s3  }
0xf: {  	_ =	strace $0x8FFFFFFF  }
0x10: {  	s20 =	sld [smem:$0x3FDB];
	_ =	sdelay $0x1  }
0x11: {  	s4 =	simm.s32 $_scs_section_size  }
0x12: {  	s5 =	simm.s32 $_size__tile_overlayer_lowered;
	s6 =	simm.s32 $_tile_overlayer_lowered  }
0x13: {  	s23 =	simm.s32 $0x1BFF;
	s22 =	sshll.u32 s6, $0x1;
	s3 =	sadd.s32 s4, s20  }
0x14: {  	s7 =	simm.s32 $0x0;
	s21 =	sshll.u32 s5, $0x1;
	s5 =	sadd.s32 s22, s3  }
0x15: {  	[timem:s7], [sflag:s23] =	dma.local [hbm:s5], s21  }
0x16: {  	_ =	swait.ge [sflag:s23], s21  }
0x17: {  	s4 =	ssub.s32 $0x0, s21;
	[sflag:s23] =	ssyncset.done $0x0  }
0x18: {  	[sflag:s23] =	ssyncadd.s32 s4;
	_ =	sdelay $0x1  }
0x19: {  	s24 =	simm.s32 $0x1B8B  }
0x1a: {  	_ =	swait.ge [sflag:s24], $0x1  }
0x1b: {  	[sflag:s24] =	ssyncset.done $0x0  }
0x1c: {  	s26 =	simm.s32 $0x1B8E;
	s25 =	sld [smem:$0x3FFE];
	[sflag:s24] =	ssyncadd.s32 $0xFFFFFFFF  }
0x1d: {  	s27 =	simm.s32 $execute0_lowered;
	[smem:$0x3FD2] =	sst s26  }
0x1e: {  	s5 =	sshll.u32 s27, $0x1;
	_ =	strace $0x80000049;
	[dreg:$0x1] =	wrdreg $0xFFFFFFFF  }
0x1f: {  	s28 =	simm.s32 $_size_execute0_lowered;
	s3 =	sadd.s32 s3, s5;
	[dreg:$0x0] =	wrdreg $0x0  }
0x20: {  	s5 =	sshll.u32 s28, $0x1;
	[dreg:$0x2] =	wrdreg s3  }
0x21: {  	[dreg:$0x3] =	wrdreg s5  }
0x22: {  	[dreg:$0x4] =	wrdreg $0xC0  }
0x23: {  	_ =	task [dreg:s7], $0x5FFFF  }
0x24: {  	[dreg:$0x1] =	wrdreg $0xFFFFFFFF  }
0x25: {  	[dreg:$0x0] =	wrdreg $0x60  }
0x26: {  	[dreg:$0x2] =	wrdreg s25  }
0x27: {  	[dreg:$0x3] =	wrdreg s2  }
0x28: {  	[dreg:$0x4] =	wrdreg $0x9  }
0x29: {  	_ =	task.clear_ibuf [dreg:s7], $0x5FFFF;
	_ =	strace $0x90000049  }
0x2a: {  	s29 =	simm.s32 $0x9;
	_ =	strace $0x8000004B  }
0x2b: {  	_ =	swait.ge [sflag:s29], $0x1  }
0x2c: {  	[sflag:s29] =	ssyncadd.s32 $0xFFFFFFFF  }
0x2d: {  	_ =	strace $0x9000004B  }
0x2e: {  	_ =	sfence  }
0x2f: {  	s30 =	sld [smem:$0x0];
	_ =	sdelay $0x2  }
0x30: {  	s31 =	sshll.u32 s1, $0xD;
	s1 =	sshrl.u32 s1, $0x2  }
0x31: {  	s3 =	sand.u32 $0x4000, s31;
	s1 =	sadd.s32 s1, s30  }
0x32: {  	s0 =	sor.u32 s3, s0;
	s1 =	sshll.u32 s1, $0x11  }
0x33: {  	s0 =	sor.u32 s1, s0  }
0x34: {  	s0 =	sadd.s32 $0x8F2B, s0  }
0x35: {  	[sflag:s0] =	ssyncadd.remote.s32 $0x1  }
0x36: {  	_ =	sfence.sel $0xFFFF  }
0x37: {  	[dreg:$0x0] =	wrdreg $0xFFFFFFFF;
	(pc) =	sbr.abs _section_cstart, $3  }
0x38: {  	[dreg:$0x1] =	wrdreg $0xFFFFFFFF  }
0x39: {  	_ =	task.clear_ibuf [dreg:s7], $0x2FFFF;
	_ =	strace $0x9FFFFFFF  }
0x3a: {  	(tm) =	ssettm $0x7FFFFFFF  }
0x3b: {  	_ =	shalt  }
tec
execute0_lowered:
.L_overlay_start_1:
0x0: {  	(tag) =	ssettag $0x1  }
0x1: {  	s0 =	srdreg.scid  }
0x2: {  	s1 =	sshll.u32 s0, $0x4  }
0x3: {  	s4 =	rddreg [dreg:$0x0];
	s0 =	stileid.u32;
	s1 =	sand.u32 $0x10, s1  }
0x4: {  	s2 =	rddreg [dreg:$0x1];
	s7 =	simm.s32 $0x1;
	s1 =	sor.u32 s0, s1  }
0x5: {  	s8 =	simm.s32 $0x2;
	s11 =	simm.s32 $0x0;
	s3 =	sshll.u32 s1, $0x7  }
0x6: {  	s10 =	simm.s32 $0x0;
	s4 =	sadd.s32 $0xC00, s4;
	s6 =	ssub.s32 $0x32000, s3  }
.Ltmp0:
0x7: {  	s1 =	rddreg [dreg:$0x2];
	s5 =	sand.u32 $0xF80, s6;
	(pc) =	sbr.rel .LBB1_1-.Ltmp0, $4  }
0x8: {  	_ =	strace $0x8000004A;
	s9 =	smov.u32 s3;
	p0 =	sne.s32 s5, $0x0  }
0x9: {  	s6 =	sshrl.u32 s6, $0xC;
	s5 =	simm.s32 $0x1;
	s7 =	simm.s32 @!p0 $0x0  }
0xa: {  	[sflag:s5] =	ssyncpa.u1 $0x0;
	p0 =	por $0x0, $0x0;
	s6 =	sadd.s32 s7, s6  }
0xb: {  	[sflag:s8] =	ssyncpa.u1 $0x0;
	s8 =	simm.s32 $0x190000;
	s7 =	sadd.s32 $0x1, s6  }
.LBB1_4:
0xc: {  	s14 =	sshll.u32 s11, $0x3  }
0xd: {  	s30 =	sand.u32 $0x7F, s11;
	s15 =	sand.u32 $0xFFFFFC00, s14  }
0xe: {  	s11 =	sor.u32 s30, s15  }
0xf: {  	s15 =	smulhi.u32 $0x51EB851F, s11  }
0x10: {  	s14 =	smulhi.u32 $0x51EB851F, s14  }
0x11: {  	s15 =	sshrl.u32 s15, $0x10  }
0x12: {  	s14 =	sshrl.u32 s14, $0x10;
	s15 =	smul.u32 $0x32000, s15  }
0x13: {  	s14 =	sand.u32 $0x3F, s14  }
0x14: {  	s14 =	smul.u32 $0x6400, s14;
	s11 =	ssub.s32 s11, s15  }
0x15: {  	[tilespmem:s13+$0x810 ss:$0x81] =	vst.msk $0xffff, v2;
	s15 =	sand.u32 $0x7, s11  }
0x16: {  	[tilespmem:s13+$0x1020 ss:$0x81] =	vst.msk $0xffff, v0;
	s14 =	sadd.s32 s2, s14;
	s11 =	sshrl.u32 s11, $0x3;
	s15 =	sshll.u32 s15, $0x12  }
0x17: {  	[tilespmem:s13+$0x0 ss:$0x81] =	vst.msk $0xffff, v1;
	s11 =	sadd.s32 s11, s14;
	s31 =	sor.u32 $0x400, s15  }
0x18: {  	[hbm4b:s11+s31] =	stream.strided.scatter [tilespmem:s12], [sflag:$0x2], $0x2000, s8, s31, $0x20;
	[tilespmem:$0x8080] =	vst v63  }
.LBB1_5:
0x19: {  	s13 =	sadd.s32 $0x1000, s9  }
0x1a: {  	p2 =	sgt.s32 s13, $0x31FFF  }
0x1b: {  	s13 =	smov.u32 @p2 s3;
	p2 =	sne.s32 s10, s7  }
.Ltmp1:
0x1c: {  	p1 =	slt.u32 s10, $0x2;
	(pc) =	sbr.rel @!p2 .LBB1_6-.Ltmp1, $4  }
0x1d: {  	s12 =	simm.s32 @!p1 $0x2  }
0x1e: {  	s14 =	sadd.s32 $0x1, s10;
	_ =	swait.ge @!p1 [sflag:s12], $0x2000  }
0x1f: {  	s11 =	smov.u32 s9;
	p0 =	por !p0, !p0;
	[sflag:s12] =	ssyncset.done @!p1 $0x0  }
0x20: {  	s10 =	smov.u32 s14;
	s9 =	smov.u32 s13;
	[sflag:s12] =	ssyncadd.s32 @!p1 $0xFFFFE000  }
.LBB1_1:
0x21: {  	p1 =	sge.u32 s10, s6  }
0x22: {  	s12 =	sand.u32 @!p1 $0x1FFFFFF, s9  }
0x23: {  	s13 =	smulhi.u32 @!p1 $0x147AE15, s12;
	_ =	sdelay $0x1  }
0x24: {  	s13 =	sshrl.u32 @!p1 s13, $0xA  }
0x25: {  	s13 =	smul.u32 @!p1 $0x32000, s13;
	_ =	sdelay $0x1  }
0x26: {  	s31 =	sadd.s32 $0xFFFFFFFF, s10;
	s14 =	sxor.u32 @!p1 $0xFFFFFFFF, s10;
	s12 =	ssub.s32 @!p1 s12, s13  }
0x27: {  	s15 =	simm.s32 @!p1 $0x80;
	s14 =	sshll.u32 @!p1 s14, $0xD;
	s12 =	sshll.u32 @!p1 s12, $0x4  }
0x28: {  	s13 =	sand.u32 @!p1 $0x2000, s14;
	s14 =	simm.s32 @!p1 $0x40;
	s12 =	sadd.s32 @!p1 s4, s12  }
0x29: {  	[tilespmem:s13], [sflag:$0x1] =	stream.strided.gather @!p1 [hbm4b:s12+s14], $0x2000, s15, s14, $0x38;
	[tilespmem:$0x8080] =	vst v63  }
0x2a: {  	p1 =	sge.u32 s31, s6  }
.Ltmp2:
0x2b: {  	_ = 	snop;
	(pc) =	sbr.rel @p1 .LBB1_5-.Ltmp2, $1  }
0x2c: {  	_ =	sdelay $0x3  }
0x2d: {  	s12 =	simm.s32 $0x1  }
0x2e: {  	_ =	swait.ge [sflag:s5], $0x2000;
	s12 =	simm.s32 @!p0 $0x0  }
0x2f: {  	[sflag:s5] =	ssyncset.done $0x0;
	s13 =	sshll.u32 s12, $0xD  }
0x30: {  	[sflag:s5] =	ssyncadd.s32 $0xFFFFE000;
	s16 =	sor.u32 $0x20, s13  }
0x31: {  	s12 =	smul.u32 $0x8100, s12;
	v3 =	vld [tilespmem:s16+$0x10]  }
0x32: {  	s30 =	sand.u32 $0x1, s10;
	v2 =	vld [tilespmem:s16+$0xFFFFFFF0]  }
0x33: {  	s13 =	smul.u32 $0x8100, s30;
	s12 =	sshrl.u32 s12, $0x2;
	v0 =	vld [tilespmem:s16+$0x0]  }
0x34: {  	v1 =	vld [tilespmem:s16+$0xFFFFFFE0];
	s14 =	sor.u32 $0x4000, s12  }
0x35: {  	s31 =	sshrl.u32 s13, $0x2;
	s13 =	sadd.s32 $0x0, s14  }
0x36: {  	s15 =	simm.s32 $0x4;
	s16 =	sadd.s32 $0x40, s16;
	s12 =	sor.u32 $0x4000, s31;
	[tilespmem:s13+$0x1830 ss:$0x81] =	vst.msk $0xffff, v3  }
.LBB1_3:
0x37: {  	v3 =	vld [tilespmem:s16+$0x10];
	p1 =	sne.s32 s15, $0x1FC;
	[tilespmem:s13+$0x810 ss:$0x81] =	vst.msk $0xffff, v2;
	s17 =	smov.u32 s15;
	s15 =	sadd.s32 $0x4, s15  }
.Ltmp3:
0x38: {  	v2 =	vld [tilespmem:s16+$0xFFFFFFF0];
	[tilespmem:s13+$0x1020 ss:$0x81] =	vst.msk $0xffff, v0;
	(pc) =	sbr.rel @p1 .LBB1_3-.Ltmp3, $4  }
0x39: {  	v0 =	vld [tilespmem:s16+$0x0];
	[tilespmem:s13+$0x0 ss:$0x81] =	vst.msk $0xffff, v1  }
0x3a: {  	s13 =	sshra.s32 s17, $0x2;
	v1 =	vld [tilespmem:s16+$0xFFFFFFE0]  }
0x3b: {  	s13 =	sadd.s32 s13, s14  }
0x3c: {  	s16 =	sadd.s32 $0x40, s16;
	[tilespmem:s13+$0x1830 ss:$0x81] =	vst.msk $0xffff, v3  }
.Ltmp4:
0x3d: {  	_ = 	snop;
	(pc) =	sbr.rel .LBB1_4-.Ltmp4, $1  }
0x3e: {  	_ =	sdelay $0x3  }
.LBB1_6:
0x3f: {  	_ =	sfence.sel $0x180000  }
0x40: {  	s2 =	simm.s32 $0x1;
	[bflag:$0x0] =	sbarrier.arrive $0xFFFF  }
0x41: {  	s31 =	simm.s32 $0x2;
	[sflag:s2] =	ssyncpa.u1 $0x1  }
0x42: {  	[sflag:s31] =	ssyncpa.u1 $0x1  }
0x43: {  	p0 =	sne.s32 s0, $0x0;
	_ =	strace $0x9000004A  }
0x44: {  	s0 =	sadd.s32 @!p0 $0x100000, s1;
	[bflag:$0x2] =	sbarrier.arrive $0xFFFF  }
0x45: {  	[sflag:s0] =	ssyncadd.tile.s32 @!p0 $0x1;
	_ =	shalt  }
.Lfunc_end1:
_tile_overlayer_lowered:
.L_overlay_start_2:
0x46: {  	(tag) =	ssettag $0x2  }
0x47: {  	s0 =	rddreg [dreg:$0x0];
	s2 =	stileid.u32  }
0x48: {  	s1 =	rddreg [dreg:$0x1];
	p0 =	sne.s32 s2, $0x0  }
0x49: {  	s3 =	rddreg [dreg:$0x2];
	[bflag:$0x3] =	sbarrier.arrive $0xFFFF;
	s2 =	simm.s32 @!p0 $0x1C01  }
0x4a: {  	[timem:s3], [sflag:s2] =	dma.local @!p0 [hbm:s0], s1  }
0x4b: {  	s0 =	simm.s32 @!p0 $0x1  }
0x4c: {  	_ =	swait.ge @!p0 [sflag:s0], s1  }
0x4d: {  	s1 =	ssub.s32 @!p0 $0x0, s1;
	[sflag:s0] =	ssyncset.done @!p0 $0x0  }
0x4e: {  	[sflag:s0] =	ssyncadd.s32 @!p0 s1  }
0x4f: {  	[bflag:$0x3] =	sbarrier.arrive $0xFFFF  }
0x50: {  	_ =	shalt  }

</sc_bundles>
